<compile_context>
chip_gen: v7x
topology: tpu7x:2x2x1
jax: 0.10.2.dev20260603
libtpu: 0.0.44.dev20260713+nightly
codegen_flags: <defaults>
</compile_context>

<pallas_src>
import functools

import jax
import jax.numpy as jnp
from jax import lax
from jax.experimental import pallas as pl
from jax.experimental.pallas import tpu as pltpu
from jax.experimental.pallas import tpu_sc as plsc

NC = 2
NS = 16
NW = NC * NS
LANES = 16
C = 125
G = 16



def _tc_pre_body(T, x_ref, nt_ref, fW_ref, fb_ref, W0_ref, out_ref):
  xb = x_ref[...]
  nt = nt_ref[...]
  h = jnp.zeros_like(xb)
  for t in range(T):
    ht = jnp.dot(xb, fW_ref[t], preferred_element_type=jnp.float32)
    ht = ht + fb_ref[t]
    h = jnp.where(nt == t, ht, h)
  out_ref[...] = jnp.dot(h, W0_ref[...], preferred_element_type=jnp.float32)


def _tc_pre(x, node_type, f_W, f_b, W0, NP, block):
  N, D = x.shape
  T = f_W.shape[0]
  grid = (NP // block,)
  return pl.pallas_call(
      functools.partial(_tc_pre_body, T),
      grid=grid,
      in_specs=[
          pl.BlockSpec((block, D), lambda i: (i, 0)),
          pl.BlockSpec((block, 1), lambda i: (i, 0)),
          pl.BlockSpec((T, D, D), lambda i: (0, 0, 0)),
          pl.BlockSpec((T, 1, D), lambda i: (0, 0, 0)),
          pl.BlockSpec((D, D), lambda i: (0, 0)),
      ],
      out_specs=pl.BlockSpec((block, D), lambda i: (i, 0)),
      out_shape=jax.ShapeDtypeStruct((NP, D), jnp.float32),
  )(x, node_type.reshape(N, 1), f_W, f_b.reshape(T, 1, D), W0)


def _tc_post_body(has_W, a0_ref, a1_ref, dinv_ref, b_ref, W_ref, out_ref):
  agg = a0_ref[...] + a1_ref[...]
  h = jnp.maximum(agg * dinv_ref[...] + b_ref[...], 0.0)
  if has_W:
    h = jnp.dot(h, W_ref[...], preferred_element_type=jnp.float32)
  out_ref[...] = h


def _tc_post(acc, dinv, b, W_next, block, out_rows=None):
  NP2, D = acc.shape
  NP = NP2 // 2
  grid = (NP // block,)
  nblk = NP // block
  if out_rows is None:
    out_rows = NP
  has_W = W_next is not None
  if W_next is None:
    W_next = jnp.zeros((8, 128), jnp.float32)
  WD = W_next.shape[0]
  return pl.pallas_call(
      functools.partial(_tc_post_body, has_W),
      grid=grid,
      in_specs=[
          pl.BlockSpec((block, D), lambda i: (i, 0)),
          pl.BlockSpec((block, D), lambda i: (i + nblk, 0)),
          pl.BlockSpec((block, 1), lambda i: (i, 0)),
          pl.BlockSpec((1, D), lambda i: (0, 0)),
          pl.BlockSpec((WD, D), lambda i: (0, 0)),
      ],
      out_specs=pl.BlockSpec((block, D), lambda i: (i, 0)),
      out_shape=jax.ShapeDtypeStruct((out_rows, D), jnp.float32),
  )(acc, acc, dinv, b.reshape(1, D), W_next)



def _sc_edge_body(NP, D, NCH, rows_per_tile, compute_deg,
                  g_hbm, ei_hbm, z_hbm, z1_hbm,
                  *refs):
  if compute_deg:
    (acc_out, deg_out, src_sv, dst_sv, rows_v0, rows_v1, acc_sh, deg_v,
     semg0, semg1) = refs
  else:
    (acc_out, src_sv, dst_sv, rows_v0, rows_v1, acc_sh,
     semg0, semg1) = refs
    deg_out = deg_v = None
  rows = (rows_v0, rows_v1)
  semg = (semg0, semg1)
  cid = lax.axis_index("c")
  sid = lax.axis_index("s")
  wid = sid * NC + cid
  r0 = sid * rows_per_tile

  pltpu.sync_copy(z_hbm.at[pl.ds(r0, rows_per_tile)],
                  acc_sh.at[pl.ds(r0, rows_per_tile)])
  if compute_deg:
    pltpu.sync_copy(z1_hbm.at[0], deg_v)
  plsc.subcore_barrier()

  ones16 = jnp.full((LANES,), 1.0, jnp.float32)
  nsub = (C + LANES - 1) // LANES

  def deg_count(j):
    if compute_deg:
      for k in range(nsub):
        lo = k * LANES
        if lo + LANES <= C:
          idx = dst_sv[j, pl.ds(lo, LANES)]
          plsc.addupdate_scatter(deg_v, [idx], ones16)
        else:
          idx = dst_sv[j, pl.ds(C - LANES, LANES)]
          mask = jax.lax.iota(jnp.int32, LANES) >= (lo - (C - LANES))
          plsc.addupdate_scatter(deg_v, [idx], ones16, mask=mask)

  def group(gi, _):
    pltpu.sync_copy(ei_hbm.at[0, wid, pl.ds(gi * G, G)], src_sv)
    pltpu.sync_copy(ei_hbm.at[1, wid, pl.ds(gi * G, G)], dst_sv)
    pltpu.async_copy(g_hbm.at[src_sv.at[0]], rows[0], semg[0])

    def pair(i, _):
      j0 = 2 * i
      pltpu.async_copy(g_hbm.at[src_sv.at[j0 + 1]], rows[1], semg[1])
      pltpu.make_async_copy(g_hbm.at[src_sv.at[j0]], rows[0], semg[0]).wait()
      pltpu.sync_copy(rows[0], acc_sh.at[dst_sv.at[j0]], add=True)
      deg_count(j0)

      @pl.when(j0 + 2 < G)
      def _():
        pltpu.async_copy(g_hbm.at[src_sv.at[j0 + 2]], rows[0], semg[0])
      pltpu.make_async_copy(
          g_hbm.at[src_sv.at[j0 + 1]], rows[1], semg[1]).wait()
      pltpu.sync_copy(rows[1], acc_sh.at[dst_sv.at[j0 + 1]], add=True)
      deg_count(j0 + 1)
      return 0
    lax.fori_loop(0, G // 2, pair, 0)
    return 0
  lax.fori_loop(0, NCH // G, group, 0)

  plsc.subcore_barrier()
  pltpu.sync_copy(acc_sh.at[pl.ds(r0, rows_per_tile)],
                  acc_out.at[pl.ds(cid * NP + r0, rows_per_tile)])
  if compute_deg:
    pltpu.sync_copy(deg_v, deg_out.at[wid])


def _sc_edge_pass(g, ei4, zerosD, zeros1, compute_deg):
  NP, D = g.shape
  NCH = ei4.shape[2]
  rows_per_tile = NP // NS
  mesh = plsc.VectorSubcoreMesh(core_axis_name="c", subcore_axis_name="s",
                                num_cores=NC, num_subcores=NS)
  out_type = [jax.ShapeDtypeStruct((NC * NP, D), jnp.float32)]
  scratch = [
      pltpu.VMEM((G, C), jnp.int32),
      pltpu.VMEM((G, C), jnp.int32),
      pltpu.VMEM((C, D), jnp.float32),
      pltpu.VMEM((C, D), jnp.float32),
      pltpu.VMEM_SHARED((NP, D), jnp.float32),
  ]
  if compute_deg:
    out_type.append(jax.ShapeDtypeStruct((NW, NP), jnp.float32))
    scratch.append(pltpu.VMEM((NP,), jnp.float32))
  scratch.extend([pltpu.SemaphoreType.DMA] * 2)
  body = functools.partial(_sc_edge_body, NP, D, NCH, rows_per_tile,
                           compute_deg)
  res = pl.kernel(
      body, out_type=tuple(out_type), mesh=mesh, scratch_types=scratch,
      compiler_params=pltpu.CompilerParams(needs_layout_passes=False),
  )(g, ei4, zerosD, zeros1)
  return res if compute_deg else (res[0], None)



def kernel(x, node_type, edge_index, f_W, f_b, W, b):
  N, D = x.shape
  L = W.shape[0]
  E = edge_index.shape[1]
  NCH = E // (NW * C)
  assert NW * NCH * C == E and NCH % G == 0

  ei4 = edge_index.reshape(2, NW, NCH, C)

  NP = ((N + 8 * NS - 1) // (8 * NS)) * (8 * NS)
  zerosD = jnp.zeros((NP, D), jnp.float32)
  zeros1 = jnp.zeros((1, NP), jnp.float32)

  block = NP // NS
  g = _tc_pre(x, node_type, f_W, f_b, W[0], NP, block)

  dinv = None
  for l in range(L):
    acc, deg = _sc_edge_pass(g, ei4, zerosD, zeros1,
                             compute_deg=(l == 0))
    if l == 0:
      dinv = (1.0 / jnp.maximum(deg.sum(axis=0), 1.0)).reshape(NP, 1)
    W_next = W[l + 1] if l + 1 < L else None
    out_rows = NP if l + 1 < L else N
    g = _tc_post(acc, dinv, b[l], W_next, block, out_rows)
  return g

# --- scband reference (transcript-rebuilt; emitter-appended) ---
"""Pipeline reference for scband-gnn-72911364817162 (READ-ONLY COPY).

The authoritative reference and input builder live on the scoring server;
editing this copy changes nothing except your own understanding.
"""

import jax, jax.numpy as jnp
import numpy as np

N = 10000
E = 320000
D = 128
T = 4
L = 2


def setup_inputs(seed: int = 0) -> dict:
    key = jax.random.key(seed)
    ks = jax.random.split(key, 8)
    x = jax.random.normal(ks[0], (N, D), dtype=jnp.float32)
    node_type = jax.random.randint(ks[1], (N,), 0, T, dtype=jnp.int32)
    edge_index = jax.random.randint(ks[2], (2, E), 0, N, dtype=jnp.int32)
    # per-node-type input linears (f_linears): weights [T, D, D], biases [T, D]
    f_W = jax.random.normal(ks[3], (T, D, D), dtype=jnp.float32) * (1.0 / np.sqrt(D))
    f_b = jnp.zeros((T, D), dtype=jnp.float32)
    # GCN stack weights: [L, D, D], biases [L, D]
    W = jax.random.normal(ks[4], (L, D, D), dtype=jnp.float32) * (1.0 / np.sqrt(D))
    b = jnp.zeros((L, D), dtype=jnp.float32)
    return {"x": x, "node_type": node_type, "edge_index": edge_index,
            "f_W": f_W, "f_b": f_b, "W": W, "b": b}


def reference(x, node_type, edge_index, f_W, f_b, W, b):
    # mp_linears: type-specific linear applied per node (gather of weight slabs)
    Wn = jnp.take(f_W, node_type, axis=0)          # [N, D, D] gather
    bn = jnp.take(f_b, node_type, axis=0)          # [N, D]
    h = jnp.einsum('nd,ndo->no', x, Wn) + bn       # per-node matvec
    # GCNNet: L layers of mean-aggregation message passing
    src = edge_index[0]
    dst = edge_index[1]
    deg = jax.ops.segment_sum(jnp.ones((E,), dtype=jnp.float32), dst, num_segments=N)
    deg = jnp.clip(deg, 1.0, None)
    for l in range(L):
        m = jnp.take(h, src, axis=0)               # gather source features [E, D]
        agg = jax.ops.segment_sum(m, dst, num_segments=N)  # scatter-add [N, D]
        agg = agg / deg[:, None]
        h = jax.nn.relu(agg @ W[l] + b[l])
    return h

if __name__ == "__main__":
    import jax
    _d = setup_inputs()
    print(jax.jit(kernel)(*tuple(_d.values())))

</pallas_src>

<mosaic_0001>
#map = affine_map<(d0, d1) -> (0, 0)>
#map1 = affine_map<(d0, d1) -> (0, 0, 0, 0)>
module attributes {stable_mosaic.version = 14 : i64} {
  func.func @_sc_edge_body(%arg0: i32, %arg1: i32, %arg2: memref<10112x128xf32, #tpu.memory_space<hbm>>, %arg3: memref<2x32x80x125xi32, #tpu.memory_space<hbm>>, %arg4: memref<10112x128xf32, #tpu.memory_space<hbm>>, %arg5: memref<1x10112xf32, #tpu.memory_space<hbm>>, %arg6: memref<20224x128xf32, #tpu.memory_space<hbm>>, %arg7: memref<32x10112xf32, #tpu.memory_space<hbm>>, %arg8: memref<16x125xi32, #tpu.memory_space<vmem>>, %arg9: memref<16x125xi32, #tpu.memory_space<vmem>>, %arg10: memref<125x128xf32, #tpu.memory_space<vmem>>, %arg11: memref<125x128xf32, #tpu.memory_space<vmem>>, %arg12: memref<10112x128xf32, #tpu.memory_space<vmem_shared>>, %arg13: memref<10112xf32, #tpu.memory_space<vmem>>, %arg14: memref<!tpu.dma_semaphore, #tpu.memory_space<semaphore_mem>>, %arg15: memref<!tpu.dma_semaphore, #tpu.memory_space<semaphore_mem>>) attributes {dimension_semantics = [#tpu.dimension_semantics<core_parallel>, #tpu.dimension_semantics<subcore_parallel>], iteration_bounds = array<i64: 2, 16>, scalar_prefetch = 0 : i64, scratch_operands = 8 : i64, tpu.core_type = #tpu.core_type<sc_vector_subcore>, window_params = [{transform_indices = #map}, {transform_indices = #map1}, {transform_indices = #map}, {transform_indices = #map}, {transform_indices = #map}, {transform_indices = #map}]} {
    %mul3A = arith.constant 2 : i32
    %mul3A_0 = arith.muli %arg1, %mul3A : i32
    %add3A = arith.addi %mul3A_0, %arg0 : i32
    %mul3A_1 = arith.constant 632 : i32
    %mul3A_2 = arith.muli %arg1, %mul3A_1 : i32
    "tpu.region"() ({
      %run_scoped3A_14 = tpu.sem_alloc : memref<!tpu.dma_semaphore, #tpu.memory_space<semaphore_mem>>
      %dma_start3A = arith.constant 0 : i32
      %dma_start3A_15 = tpu.memref_slice %arg12[%mul3A_2, %dma_start3A] : memref<10112x128xf32, #tpu.memory_space<vmem_shared>> -> memref<632x128xf32, #tpu.memory_space<vmem_shared>>
      %dma_start3A_16 = arith.constant 0 : i32
      %dma_start3A_17 = tpu.memref_slice %arg4[%mul3A_2, %dma_start3A_16] : memref<10112x128xf32, #tpu.memory_space<hbm>> -> memref<632x128xf32, #tpu.memory_space<hbm>>
      tpu.enqueue_dma source(%dma_start3A_17 : memref<632x128xf32, #tpu.memory_space<hbm>>) target(%dma_start3A_15 : memref<632x128xf32, #tpu.memory_space<vmem_shared>>) target_semaphore(%run_scoped3A_14 : memref<!tpu.dma_semaphore, #tpu.memory_space<semaphore_mem>>)
      %dma_wait3A = arith.constant 0 : i32
      %dma_wait3A_18 = tpu.memref_slice %arg12[%mul3A_2, %dma_wait3A] : memref<10112x128xf32, #tpu.memory_space<vmem_shared>> -> memref<632x128xf32, #tpu.memory_space<vmem_shared>>
      %dma_wait3A_19 = arith.constant 0 : i32
      %dma_wait3A_20 = tpu.memref_slice %arg4[%mul3A_2, %dma_wait3A_19] : memref<10112x128xf32, #tpu.memory_space<hbm>> -> memref<632x128xf32, #tpu.memory_space<hbm>>
      tpu.wait_dma2 semaphore(%run_scoped3A_14 : memref<!tpu.dma_semaphore, #tpu.memory_space<semaphore_mem>>) src(%dma_wait3A_20 : memref<632x128xf32, #tpu.memory_space<hbm>>) dst(%dma_wait3A_18 : memref<632x128xf32, #tpu.memory_space<vmem_shared>>)
      tpu.yield
    }) : () -> ()
    %run_scoped3A = arith.constant 0 : i32
    "tpu.region"() ({
      %run_scoped3A_14 = tpu.sem_alloc : memref<!tpu.dma_semaphore, #tpu.memory_space<semaphore_mem>>
      %dma_start3A = arith.constant 0 : i32
      %dma_start3A_15 = tpu.memref_slice %arg5[%run_scoped3A, %dma_start3A] : memref<1x10112xf32, #tpu.memory_space<hbm>> -> memref<1x10112xf32, #tpu.memory_space<hbm>>
      %dma_start3A_16 = tpu.memref_squeeze %dma_start3A_15 : memref<1x10112xf32, #tpu.memory_space<hbm>> -> memref<10112xf32, #tpu.memory_space<hbm>>
      %dma_start3A_17 = arith.constant 0 : i32
      %dma_start3A_18 = tpu.memref_slice %arg5[%run_scoped3A, %dma_start3A_17] : memref<1x10112xf32, #tpu.memory_space<hbm>> -> memref<1x10112xf32, #tpu.memory_space<hbm>>
      %dma_start3A_19 = tpu.memref_squeeze %dma_start3A_18 : memref<1x10112xf32, #tpu.memory_space<hbm>> -> memref<10112xf32, #tpu.memory_space<hbm>>
      tpu.enqueue_dma source(%dma_start3A_19 : memref<10112xf32, #tpu.memory_space<hbm>>) target(%arg13 : memref<10112xf32, #tpu.memory_space<vmem>>) target_semaphore(%run_scoped3A_14 : memref<!tpu.dma_semaphore, #tpu.memory_space<semaphore_mem>>)
      %dma_wait3A = arith.constant 0 : i32
      %dma_wait3A_20 = tpu.memref_slice %arg5[%run_scoped3A, %dma_wait3A] : memref<1x10112xf32, #tpu.memory_space<hbm>> -> memref<1x10112xf32, #tpu.memory_space<hbm>>
      %dma_wait3A_21 = tpu.memref_squeeze %dma_wait3A_20 : memref<1x10112xf32, #tpu.memory_space<hbm>> -> memref<10112xf32, #tpu.memory_space<hbm>>
      %dma_wait3A_22 = arith.constant 0 : i32
      %dma_wait3A_23 = tpu.memref_slice %arg5[%run_scoped3A, %dma_wait3A_22] : memref<1x10112xf32, #tpu.memory_space<hbm>> -> memref<1x10112xf32, #tpu.memory_space<hbm>>
      %dma_wait3A_24 = tpu.memref_squeeze %dma_wait3A_23 : memref<1x10112xf32, #tpu.memory_space<hbm>> -> memref<10112xf32, #tpu.memory_space<hbm>>
      tpu.wait_dma2 semaphore(%run_scoped3A_14 : memref<!tpu.dma_semaphore, #tpu.memory_space<semaphore_mem>>) src(%dma_wait3A_24 : memref<10112xf32, #tpu.memory_space<hbm>>) dst(%arg13 : memref<10112xf32, #tpu.memory_space<vmem>>)
      tpu.yield
    }) : () -> ()
    %barrier3A = arith.constant 0 : index
    tpu.barrier barrier_id(%barrier3A)
    %broadcast_in_dim3A = arith.constant 1.000000e+00 : f32
    %broadcast_in_dim3A_3 = vector.broadcast %broadcast_in_dim3A : f32 to vector<16xf32>
    %scan3A = arith.constant 0 : i32
    %scan3A_4 = arith.constant 0 : i32
    %scan3A_5 = arith.constant 5 : i32
    %scan3A_6 = arith.addi %scan3A_4, %scan3A_5 : i32
    %scan3A_7 = arith.constant 1 : i32
    %scan3A_8 = scf.for %scan3A_14 = %scan3A_4 to %scan3A_6 step %scan3A_7 iter_args(%scan3A_15 = %scan3A) -> (i32)  : i32 {
      %mul3A_16 = arith.constant 16 : i32
      %mul3A_17 = arith.muli %scan3A_14, %mul3A_16 : i32
      %run_scoped3A_18 = arith.constant 0 : i32
      "tpu.region"() ({
        %run_scoped3A_36 = tpu.sem_alloc : memref<!tpu.dma_semaphore, #tpu.memory_space<semaphore_mem>>
        %dma_start3A_37 = arith.constant 0 : i32
        %dma_start3A_38 = tpu.memref_slice %arg3[%run_scoped3A_18, %add3A, %mul3A_17, %dma_start3A_37] : memref<2x32x80x125xi32, #tpu.memory_space<hbm>> -> memref<1x1x16x125xi32, #tpu.memory_space<hbm>>
        %dma_start3A_39 = tpu.memref_squeeze %dma_start3A_38 : memref<1x1x16x125xi32, #tpu.memory_space<hbm>> -> memref<16x125xi32, #tpu.memory_space<hbm>>
        %dma_start3A_40 = arith.constant 0 : i32
        %dma_start3A_41 = tpu.memref_slice %arg3[%run_scoped3A_18, %add3A, %mul3A_17, %dma_start3A_40] : memref<2x32x80x125xi32, #tpu.memory_space<hbm>> -> memref<1x1x16x125xi32, #tpu.memory_space<hbm>>
        %dma_start3A_42 = tpu.memref_squeeze %dma_start3A_41 : memref<1x1x16x125xi32, #tpu.memory_space<hbm>> -> memref<16x125xi32, #tpu.memory_space<hbm>>
        tpu.enqueue_dma source(%dma_start3A_42 : memref<16x125xi32, #tpu.memory_space<hbm>>) target(%arg8 : memref<16x125xi32, #tpu.memory_space<vmem>>) target_semaphore(%run_scoped3A_36 : memref<!tpu.dma_semaphore, #tpu.memory_space<semaphore_mem>>)
        %dma_wait3A = arith.constant 0 : i32
        %dma_wait3A_43 = tpu.memref_slice %arg3[%run_scoped3A_18, %add3A, %mul3A_17, %dma_wait3A] : memref<2x32x80x125xi32, #tpu.memory_space<hbm>> -> memref<1x1x16x125xi32, #tpu.memory_space<hbm>>
        %dma_wait3A_44 = tpu.memref_squeeze %dma_wait3A_43 : memref<1x1x16x125xi32, #tpu.memory_space<hbm>> -> memref<16x125xi32, #tpu.memory_space<hbm>>
        %dma_wait3A_45 = arith.constant 0 : i32
        %dma_wait3A_46 = tpu.memref_slice %arg3[%run_scoped3A_18, %add3A, %mul3A_17, %dma_wait3A_45] : memref<2x32x80x125xi32, #tpu.memory_space<hbm>> -> memref<1x1x16x125xi32, #tpu.memory_space<hbm>>
        %dma_wait3A_47 = tpu.memref_squeeze %dma_wait3A_46 : memref<1x1x16x125xi32, #tpu.memory_space<hbm>> -> memref<16x125xi32, #tpu.memory_space<hbm>>
        tpu.wait_dma2 semaphore(%run_scoped3A_36 : memref<!tpu.dma_semaphore, #tpu.memory_space<semaphore_mem>>) src(%dma_wait3A_47 : memref<16x125xi32, #tpu.memory_space<hbm>>) dst(%arg8 : memref<16x125xi32, #tpu.memory_space<vmem>>)
        tpu.yield
      }) : () -> ()
      %mul3A_19 = arith.constant 16 : i32
      %mul3A_20 = arith.muli %scan3A_14, %mul3A_19 : i32
      %run_scoped3A_21 = arith.constant 1 : i32
      "tpu.region"() ({
        %run_scoped3A_36 = tpu.sem_alloc : memref<!tpu.dma_semaphore, #tpu.memory_space<semaphore_mem>>
        %dma_start3A_37 = arith.constant 0 : i32
        %dma_start3A_38 = tpu.memref_slice %arg3[%run_scoped3A_21, %add3A, %mul3A_20, %dma_start3A_37] : memref<2x32x80x125xi32, #tpu.memory_space<hbm>> -> memref<1x1x16x125xi32, #tpu.memory_space<hbm>>
        %dma_start3A_39 = tpu.memref_squeeze %dma_start3A_38 : memref<1x1x16x125xi32, #tpu.memory_space<hbm>> -> memref<16x125xi32, #tpu.memory_space<hbm>>
        %dma_start3A_40 = arith.constant 0 : i32
        %dma_start3A_41 = tpu.memref_slice %arg3[%run_scoped3A_21, %add3A, %mul3A_20, %dma_start3A_40] : memref<2x32x80x125xi32, #tpu.memory_space<hbm>> -> memref<1x1x16x125xi32, #tpu.memory_space<hbm>>
        %dma_start3A_42 = tpu.memref_squeeze %dma_start3A_41 : memref<1x1x16x125xi32, #tpu.memory_space<hbm>> -> memref<16x125xi32, #tpu.memory_space<hbm>>
        tpu.enqueue_dma source(%dma_start3A_42 : memref<16x125xi32, #tpu.memory_space<hbm>>) target(%arg9 : memref<16x125xi32, #tpu.memory_space<vmem>>) target_semaphore(%run_scoped3A_36 : memref<!tpu.dma_semaphore, #tpu.memory_space<semaphore_mem>>)
        %dma_wait3A = arith.constant 0 : i32
        %dma_wait3A_43 = tpu.memref_slice %arg3[%run_scoped3A_21, %add3A, %mul3A_20, %dma_wait3A] : memref<2x32x80x125xi32, #tpu.memory_space<hbm>> -> memref<1x1x16x125xi32, #tpu.memory_space<hbm>>
        %dma_wait3A_44 = tpu.memref_squeeze %dma_wait3A_43 : memref<1x1x16x125xi32, #tpu.memory_space<hbm>> -> memref<16x125xi32, #tpu.memory_space<hbm>>
        %dma_wait3A_45 = arith.constant 0 : i32
        %dma_wait3A_46 = tpu.memref_slice %arg3[%run_scoped3A_21, %add3A, %mul3A_20, %dma_wait3A_45] : memref<2x32x80x125xi32, #tpu.memory_space<hbm>> -> memref<1x1x16x125xi32, #tpu.memory_space<hbm>>
        %dma_wait3A_47 = tpu.memref_squeeze %dma_wait3A_46 : memref<1x1x16x125xi32, #tpu.memory_space<hbm>> -> memref<16x125xi32, #tpu.memory_space<hbm>>
        tpu.wait_dma2 semaphore(%run_scoped3A_36 : memref<!tpu.dma_semaphore, #tpu.memory_space<semaphore_mem>>) src(%dma_wait3A_47 : memref<16x125xi32, #tpu.memory_space<hbm>>) dst(%arg9 : memref<16x125xi32, #tpu.memory_space<vmem>>)
        tpu.yield
      }) : () -> ()
      %dma_start3A = arith.constant 0 : i32
      %dma_start3A_22 = arith.constant 0 : i32
      %dma_start3A_23 = tpu.memref_slice %arg8[%dma_start3A, %dma_start3A_22] : memref<16x125xi32, #tpu.memory_space<vmem>> -> memref<1x125xi32, #tpu.memory_space<vmem>>
      %dma_start3A_24 = tpu.memref_squeeze %dma_start3A_23 : memref<1x125xi32, #tpu.memory_space<vmem>> -> memref<125xi32, #tpu.memory_space<vmem>>
      %dma_start3A_25 = arith.constant 0 : i32
      %dma_start3A_26 = arith.constant 0 : i32
      %dma_start3A_27 = tpu.memref_slice %arg2[%dma_start3A_25, %dma_start3A_26] : memref<10112x128xf32, #tpu.memory_space<hbm>> -> memref<10112x128xf32, #tpu.memory_space<hbm>>
      tpu.enqueue_indirect_dma source(%dma_start3A_27 : memref<10112x128xf32, #tpu.memory_space<hbm>>) target(%arg10 : memref<125x128xf32, #tpu.memory_space<vmem>>) offsets(%dma_start3A_24 : memref<125xi32, #tpu.memory_space<vmem>>) semaphore(%arg14 : memref<!tpu.dma_semaphore, #tpu.memory_space<semaphore_mem>>)
      %scan3A_28 = arith.constant 0 : i32
      %scan3A_29 = arith.constant 0 : i32
      %scan3A_30 = arith.constant 8 : i32
      %scan3A_31 = arith.addi %scan3A_29, %scan3A_30 : i32
      %scan3A_32 = arith.constant 1 : i32
      %scan3A_33 = scf.for %scan3A_36 = %scan3A_29 to %scan3A_31 step %scan3A_32 iter_args(%scan3A_37 = %scan3A_28) -> (i32)  : i32 {
        %mul3A_38 = arith.constant 2 : i32
        %mul3A_39 = arith.muli %mul3A_38, %scan3A_36 : i32
        %add3A_40 = arith.constant 1 : i32
        %add3A_41 = arith.addi %mul3A_39, %add3A_40 : i32
        %dma_start3A_42 = arith.constant 0 : i32
        %dma_start3A_43 = tpu.memref_slice %arg8[%add3A_41, %dma_start3A_42] : memref<16x125xi32, #tpu.memory_space<vmem>> -> memref<1x125xi32, #tpu.memory_space<vmem>>
        %dma_start3A_44 = tpu.memref_squeeze %dma_start3A_43 : memref<1x125xi32, #tpu.memory_space<vmem>> -> memref<125xi32, #tpu.memory_space<vmem>>
        %dma_start3A_45 = arith.constant 0 : i32
        %dma_start3A_46 = arith.constant 0 : i32
        %dma_start3A_47 = tpu.memref_slice %arg2[%dma_start3A_45, %dma_start3A_46] : memref<10112x128xf32, #tpu.memory_space<hbm>> -> memref<10112x128xf32, #tpu.memory_space<hbm>>
        tpu.enqueue_indirect_dma source(%dma_start3A_47 : memref<10112x128xf32, #tpu.memory_space<hbm>>) target(%arg11 : memref<125x128xf32, #tpu.memory_space<vmem>>) offsets(%dma_start3A_44 : memref<125xi32, #tpu.memory_space<vmem>>) semaphore(%arg15 : memref<!tpu.dma_semaphore, #tpu.memory_space<semaphore_mem>>)
        %dma_wait3A = arith.constant 0 : i32
        %dma_wait3A_48 = tpu.memref_slice %arg8[%mul3A_39, %dma_wait3A] : memref<16x125xi32, #tpu.memory_space<vmem>> -> memref<1x125xi32, #tpu.memory_space<vmem>>
        %dma_wait3A_49 = tpu.memref_squeeze %dma_wait3A_48 : memref<1x125xi32, #tpu.memory_space<vmem>> -> memref<125xi32, #tpu.memory_space<vmem>>
        %dma_wait3A_50 = arith.constant 0 : i32
        %dma_wait3A_51 = arith.constant 0 : i32
        %dma_wait3A_52 = tpu.memref_slice %arg2[%dma_wait3A_50, %dma_wait3A_51] : memref<10112x128xf32, #tpu.memory_space<hbm>> -> memref<10112x128xf32, #tpu.memory_space<hbm>>
        tpu.wait_indirect_dma semaphore(%arg14 : memref<!tpu.dma_semaphore, #tpu.memory_space<semaphore_mem>>) src(%dma_wait3A_52 : memref<10112x128xf32, #tpu.memory_space<hbm>>) dst(%arg10 : memref<125x128xf32, #tpu.memory_space<vmem>>)
        "tpu.region"() ({
          %run_scoped3A_123 = tpu.sem_alloc : memref<!tpu.dma_semaphore, #tpu.memory_space<semaphore_mem>>
          %dma_start3A_124 = arith.constant 0 : i32
          %dma_start3A_125 = tpu.memref_slice %arg9[%mul3A_39, %dma_start3A_124] : memref<16x125xi32, #tpu.memory_space<vmem>> -> memref<1x125xi32, #tpu.memory_space<vmem>>
          %dma_start3A_126 = tpu.memref_squeeze %dma_start3A_125 : memref<1x125xi32, #tpu.memory_space<vmem>> -> memref<125xi32, #tpu.memory_space<vmem>>
          %dma_start3A_127 = arith.constant 0 : i32
          %dma_start3A_128 = arith.constant 0 : i32
          %dma_start3A_129 = tpu.memref_slice %arg12[%dma_start3A_127, %dma_start3A_128] : memref<10112x128xf32, #tpu.memory_space<vmem_shared>> -> memref<10112x128xf32, #tpu.memory_space<vmem_shared>>
          tpu.enqueue_indirect_dma source(%arg10 : memref<125x128xf32, #tpu.memory_space<vmem>>) target(%dma_start3A_129 : memref<10112x128xf32, #tpu.memory_space<vmem_shared>>) offsets(%dma_start3A_126 : memref<125xi32, #tpu.memory_space<vmem>>) semaphore(%run_scoped3A_123 : memref<!tpu.dma_semaphore, #tpu.memory_space<semaphore_mem>>) {add = true}
          %dma_wait3A_130 = arith.constant 0 : i32
          %dma_wait3A_131 = tpu.memref_slice %arg9[%mul3A_39, %dma_wait3A_130] : memref<16x125xi32, #tpu.memory_space<vmem>> -> memref<1x125xi32, #tpu.memory_space<vmem>>
          %dma_wait3A_132 = tpu.memref_squeeze %dma_wait3A_131 : memref<1x125xi32, #tpu.memory_space<vmem>> -> memref<125xi32, #tpu.memory_space<vmem>>
          %dma_wait3A_133 = arith.constant 0 : i32
          %dma_wait3A_134 = arith.constant 0 : i32
          %dma_wait3A_135 = tpu.memref_slice %arg12[%dma_wait3A_133, %dma_wait3A_134] : memref<10112x128xf32, #tpu.memory_space<vmem_shared>> -> memref<10112x128xf32, #tpu.memory_space<vmem_shared>>
          tpu.wait_indirect_dma semaphore(%run_scoped3A_123 : memref<!tpu.dma_semaphore, #tpu.memory_space<semaphore_mem>>) src(%arg10 : memref<125x128xf32, #tpu.memory_space<vmem>>) dst(%dma_wait3A_135 : memref<10112x128xf32, #tpu.memory_space<vmem_shared>>)
          tpu.yield
        }) : () -> ()
        %get3A = arith.index_cast %mul3A_39 : i32 to index
        %get3A_53 = arith.constant 0 : index
        %get3A_54 = tpu.vector_load %arg9[%get3A, %get3A_53] {strides = array<i32>} : memref<16x125xi32, #tpu.memory_space<vmem>>, vector<16xi32>,
        tpu.vector_store_idx %arg13[%get3A_54], %broadcast_in_dim3A_3 {add = true} : memref<10112xf32, #tpu.memory_space<vmem>>[vector<16xi32>], vector<16xf32>,
        %get3A_55 = arith.index_cast %mul3A_39 : i32 to index
        %get3A_56 = arith.constant 16 : index
        %get3A_57 = tpu.vector_load %arg9[%get3A_55, %get3A_56] {strides = array<i32>} : memref<16x125xi32, #tpu.memory_space<vmem>>, vector<16xi32>,
        tpu.vector_store_idx %arg13[%get3A_57], %broadcast_in_dim3A_3 {add = true} : memref<10112xf32, #tpu.memory_space<vmem>>[vector<16xi32>], vector<16xf32>,
        %get3A_58 = arith.index_cast %mul3A_39 : i32 to index
        %get3A_59 = arith.constant 32 : index
        %get3A_60 = tpu.vector_load %arg9[%get3A_58, %get3A_59] {strides = array<i32>} : memref<16x125xi32, #tpu.memory_space<vmem>>, vector<16xi32>,
        tpu.vector_store_idx %arg13[%get3A_60], %broadcast_in_dim3A_3 {add = true} : memref<10112xf32, #tpu.memory_space<vmem>>[vector<16xi32>], vector<16xf32>,
        %get3A_61 = arith.index_cast %mul3A_39 : i32 to index
        %get3A_62 = arith.constant 48 : index
        %get3A_63 = tpu.vector_load %arg9[%get3A_61, %get3A_62] {strides = array<i32>} : memref<16x125xi32, #tpu.memory_space<vmem>>, vector<16xi32>,
        tpu.vector_store_idx %arg13[%get3A_63], %broadcast_in_dim3A_3 {add = true} : memref<10112xf32, #tpu.memory_space<vmem>>[vector<16xi32>], vector<16xf32>,
        %get3A_64 = arith.index_cast %mul3A_39 : i32 to index
        %get3A_65 = arith.constant 64 : index
        %get3A_66 = tpu.vector_load %arg9[%get3A_64, %get3A_65] {strides = array<i32>} : memref<16x125xi32, #tpu.memory_space<vmem>>, vector<16xi32>,
        tpu.vector_store_idx %arg13[%get3A_66], %broadcast_in_dim3A_3 {add = true} : memref<10112xf32, #tpu.memory_space<vmem>>[vector<16xi32>], vector<16xf32>,
        %get3A_67 = arith.index_cast %mul3A_39 : i32 to index
        %get3A_68 = arith.constant 80 : index
        %get3A_69 = tpu.vector_load %arg9[%get3A_67, %get3A_68] {strides = array<i32>} : memref<16x125xi32, #tpu.memory_space<vmem>>, vector<16xi32>,
        tpu.vector_store_idx %arg13[%get3A_69], %broadcast_in_dim3A_3 {add = true} : memref<10112xf32, #tpu.memory_space<vmem>>[vector<16xi32>], vector<16xf32>,
        %get3A_70 = arith.index_cast %mul3A_39 : i32 to index
        %get3A_71 = arith.constant 96 : index
        %get3A_72 = tpu.vector_load %arg9[%get3A_70, %get3A_71] {strides = array<i32>} : memref<16x125xi32, #tpu.memory_space<vmem>>, vector<16xi32>,
        tpu.vector_store_idx %arg13[%get3A_72], %broadcast_in_dim3A_3 {add = true} : memref<10112xf32, #tpu.memory_space<vmem>>[vector<16xi32>], vector<16xf32>,
        %get3A_73 = arith.index_cast %mul3A_39 : i32 to index
        %get3A_74 = arith.constant 109 : index
        %get3A_75 = tpu.vector_load %arg9[%get3A_73, %get3A_74] {strides = array<i32>} : memref<16x125xi32, #tpu.memory_space<vmem>>, vector<16xi32>,
        %iota3A = tpu.iota {dimensions = array<i32: 0>} : vector<16xi32>
        %ge3A = arith.constant 3 : i32
        %ge3A_76 = vector.broadcast %ge3A : i32 to vector<16xi32>
        %ge3A_77 = arith.cmpi sge, %iota3A, %ge3A_76 : vector<16xi32>
        tpu.vector_store_idx %arg13[%get3A_75], %broadcast_in_dim3A_3 masked %ge3A_77 {add = true} : memref<10112xf32, #tpu.memory_space<vmem>>[vector<16xi32>], vector<16xf32>, vector<16xi1>
        %add3A_78 = arith.constant 2 : i32
        %add3A_79 = arith.addi %mul3A_39, %add3A_78 : i32
        %lt3A = arith.constant 16 : i32
        %lt3A_80 = arith.cmpi slt, %add3A_79, %lt3A : i32
        %convert_element_type3A = arith.extui %lt3A_80 : i1 to i32
        %cond3A = arith.constant 0 : i32
        %cond3A_81 = arith.cmpi ne, %convert_element_type3A, %cond3A : i32
        scf.if %cond3A_81 {
          %add3A_123 = arith.constant 2 : i32
          %add3A_124 = arith.addi %mul3A_39, %add3A_123 : i32
          %dma_start3A_125 = arith.constant 0 : i32
          %dma_start3A_126 = tpu.memref_slice %arg8[%add3A_124, %dma_start3A_125] : memref<16x125xi32, #tpu.memory_space<vmem>> -> memref<1x125xi32, #tpu.memory_space<vmem>>
          %dma_start3A_127 = tpu.memref_squeeze %dma_start3A_126 : memref<1x125xi32, #tpu.memory_space<vmem>> -> memref<125xi32, #tpu.memory_space<vmem>>
          %dma_start3A_128 = arith.constant 0 : i32
          %dma_start3A_129 = arith.constant 0 : i32
          %dma_start3A_130 = tpu.memref_slice %arg2[%dma_start3A_128, %dma_start3A_129] : memref<10112x128xf32, #tpu.memory_space<hbm>> -> memref<10112x128xf32, #tpu.memory_space<hbm>>
          tpu.enqueue_indirect_dma source(%dma_start3A_130 : memref<10112x128xf32, #tpu.memory_space<hbm>>) target(%arg10 : memref<125x128xf32, #tpu.memory_space<vmem>>) offsets(%dma_start3A_127 : memref<125xi32, #tpu.memory_space<vmem>>) semaphore(%arg14 : memref<!tpu.dma_semaphore, #tpu.memory_space<semaphore_mem>>)
        } else {
        }
        %add3A_82 = arith.constant 1 : i32
        %add3A_83 = arith.addi %mul3A_39, %add3A_82 : i32
        %dma_wait3A_84 = arith.constant 0 : i32
        %dma_wait3A_85 = tpu.memref_slice %arg8[%add3A_83, %dma_wait3A_84] : memref<16x125xi32, #tpu.memory_space<vmem>> -> memref<1x125xi32, #tpu.memory_space<vmem>>
        %dma_wait3A_86 = tpu.memref_squeeze %dma_wait3A_85 : memref<1x125xi32, #tpu.memory_space<vmem>> -> memref<125xi32, #tpu.memory_space<vmem>>
        %dma_wait3A_87 = arith.constant 0 : i32
        %dma_wait3A_88 = arith.constant 0 : i32
        %dma_wait3A_89 = tpu.memref_slice %arg2[%dma_wait3A_87, %dma_wait3A_88] : memref<10112x128xf32, #tpu.memory_space<hbm>> -> memref<10112x128xf32, #tpu.memory_space<hbm>>
        tpu.wait_indirect_dma semaphore(%arg15 : memref<!tpu.dma_semaphore, #tpu.memory_space<semaphore_mem>>) src(%dma_wait3A_89 : memref<10112x128xf32, #tpu.memory_space<hbm>>) dst(%arg11 : memref<125x128xf32, #tpu.memory_space<vmem>>)
        %add3A_90 = arith.constant 1 : i32
        %add3A_91 = arith.addi %mul3A_39, %add3A_90 : i32
        "tpu.region"() ({
          %run_scoped3A_123 = tpu.sem_alloc : memref<!tpu.dma_semaphore, #tpu.memory_space<semaphore_mem>>
          %dma_start3A_124 = arith.constant 0 : i32
          %dma_start3A_125 = tpu.memref_slice %arg9[%add3A_91, %dma_start3A_124] : memref<16x125xi32, #tpu.memory_space<vmem>> -> memref<1x125xi32, #tpu.memory_space<vmem>>
          %dma_start3A_126 = tpu.memref_squeeze %dma_start3A_125 : memref<1x125xi32, #tpu.memory_space<vmem>> -> memref<125xi32, #tpu.memory_space<vmem>>
          %dma_start3A_127 = arith.constant 0 : i32
          %dma_start3A_128 = arith.constant 0 : i32
          %dma_start3A_129 = tpu.memref_slice %arg12[%dma_start3A_127, %dma_start3A_128] : memref<10112x128xf32, #tpu.memory_space<vmem_shared>> -> memref<10112x128xf32, #tpu.memory_space<vmem_shared>>
          tpu.enqueue_indirect_dma source(%arg11 : memref<125x128xf32, #tpu.memory_space<vmem>>) target(%dma_start3A_129 : memref<10112x128xf32, #tpu.memory_space<vmem_shared>>) offsets(%dma_start3A_126 : memref<125xi32, #tpu.memory_space<vmem>>) semaphore(%run_scoped3A_123 : memref<!tpu.dma_semaphore, #tpu.memory_space<semaphore_mem>>) {add = true}
          %dma_wait3A_130 = arith.constant 0 : i32
          %dma_wait3A_131 = tpu.memref_slice %arg9[%add3A_91, %dma_wait3A_130] : memref<16x125xi32, #tpu.memory_space<vmem>> -> memref<1x125xi32, #tpu.memory_space<vmem>>
          %dma_wait3A_132 = tpu.memref_squeeze %dma_wait3A_131 : memref<1x125xi32, #tpu.memory_space<vmem>> -> memref<125xi32, #tpu.memory_space<vmem>>
          %dma_wait3A_133 = arith.constant 0 : i32
          %dma_wait3A_134 = arith.constant 0 : i32
          %dma_wait3A_135 = tpu.memref_slice %arg12[%dma_wait3A_133, %dma_wait3A_134] : memref<10112x128xf32, #tpu.memory_space<vmem_shared>> -> memref<10112x128xf32, #tpu.memory_space<vmem_shared>>
          tpu.wait_indirect_dma semaphore(%run_scoped3A_123 : memref<!tpu.dma_semaphore, #tpu.memory_space<semaphore_mem>>) src(%arg11 : memref<125x128xf32, #tpu.memory_space<vmem>>) dst(%dma_wait3A_135 : memref<10112x128xf32, #tpu.memory_space<vmem_shared>>)
          tpu.yield
        }) : () -> ()
        %add3A_92 = arith.constant 1 : i32
        %add3A_93 = arith.addi %mul3A_39, %add3A_92 : i32
        %get3A_94 = arith.index_cast %add3A_93 : i32 to index
        %get3A_95 = arith.constant 0 : index
        %get3A_96 = tpu.vector_load %arg9[%get3A_94, %get3A_95] {strides = array<i32>} : memref<16x125xi32, #tpu.memory_space<vmem>>, vector<16xi32>,
        tpu.vector_store_idx %arg13[%get3A_96], %broadcast_in_dim3A_3 {add = true} : memref<10112xf32, #tpu.memory_space<vmem>>[vector<16xi32>], vector<16xf32>,
        %get3A_97 = arith.index_cast %add3A_93 : i32 to index
        %get3A_98 = arith.constant 16 : index
        %get3A_99 = tpu.vector_load %arg9[%get3A_97, %get3A_98] {strides = array<i32>} : memref<16x125xi32, #tpu.memory_space<vmem>>, vector<16xi32>,
        tpu.vector_store_idx %arg13[%get3A_99], %broadcast_in_dim3A_3 {add = true} : memref<10112xf32, #tpu.memory_space<vmem>>[vector<16xi32>], vector<16xf32>,
        %get3A_100 = arith.index_cast %add3A_93 : i32 to index
        %get3A_101 = arith.constant 32 : index
        %get3A_102 = tpu.vector_load %arg9[%get3A_100, %get3A_101] {strides = array<i32>} : memref<16x125xi32, #tpu.memory_space<vmem>>, vector<16xi32>,
        tpu.vector_store_idx %arg13[%get3A_102], %broadcast_in_dim3A_3 {add = true} : memref<10112xf32, #tpu.memory_space<vmem>>[vector<16xi32>], vector<16xf32>,
        %get3A_103 = arith.index_cast %add3A_93 : i32 to index
        %get3A_104 = arith.constant 48 : index
        %get3A_105 = tpu.vector_load %arg9[%get3A_103, %get3A_104] {strides = array<i32>} : memref<16x125xi32, #tpu.memory_space<vmem>>, vector<16xi32>,
        tpu.vector_store_idx %arg13[%get3A_105], %broadcast_in_dim3A_3 {add = true} : memref<10112xf32, #tpu.memory_space<vmem>>[vector<16xi32>], vector<16xf32>,
        %get3A_106 = arith.index_cast %add3A_93 : i32 to index
        %get3A_107 = arith.constant 64 : index
        %get3A_108 = tpu.vector_load %arg9[%get3A_106, %get3A_107] {strides = array<i32>} : memref<16x125xi32, #tpu.memory_space<vmem>>, vector<16xi32>,
        tpu.vector_store_idx %arg13[%get3A_108], %broadcast_in_dim3A_3 {add = true} : memref<10112xf32, #tpu.memory_space<vmem>>[vector<16xi32>], vector<16xf32>,
        %get3A_109 = arith.index_cast %add3A_93 : i32 to index
        %get3A_110 = arith.constant 80 : index
        %get3A_111 = tpu.vector_load %arg9[%get3A_109, %get3A_110] {strides = array<i32>} : memref<16x125xi32, #tpu.memory_space<vmem>>, vector<16xi32>,
        tpu.vector_store_idx %arg13[%get3A_111], %broadcast_in_dim3A_3 {add = true} : memref<10112xf32, #tpu.memory_space<vmem>>[vector<16xi32>], vector<16xf32>,
        %get3A_112 = arith.index_cast %add3A_93 : i32 to index
        %get3A_113 = arith.constant 96 : index
        %get3A_114 = tpu.vector_load %arg9[%get3A_112, %get3A_113] {strides = array<i32>} : memref<16x125xi32, #tpu.memory_space<vmem>>, vector<16xi32>,
        tpu.vector_store_idx %arg13[%get3A_114], %broadcast_in_dim3A_3 {add = true} : memref<10112xf32, #tpu.memory_space<vmem>>[vector<16xi32>], vector<16xf32>,
        %get3A_115 = arith.index_cast %add3A_93 : i32 to index
        %get3A_116 = arith.constant 109 : index
        %get3A_117 = tpu.vector_load %arg9[%get3A_115, %get3A_116] {strides = array<i32>} : memref<16x125xi32, #tpu.memory_space<vmem>>, vector<16xi32>,
        %iota3A_118 = tpu.iota {dimensions = array<i32: 0>} : vector<16xi32>
        %ge3A_119 = arith.constant 3 : i32
        %ge3A_120 = vector.broadcast %ge3A_119 : i32 to vector<16xi32>
        %ge3A_121 = arith.cmpi sge, %iota3A_118, %ge3A_120 : vector<16xi32>
        tpu.vector_store_idx %arg13[%get3A_117], %broadcast_in_dim3A_3 masked %ge3A_121 {add = true} : memref<10112xf32, #tpu.memory_space<vmem>>[vector<16xi32>], vector<16xf32>, vector<16xi1>
        %scan3A_122 = arith.constant 0 : i32
        scf.yield %scan3A_122 : i32
      }
      %scan3A_34 = arith.constant 8 : i32
      %scan3A_35 = arith.constant 0 : i32
      scf.yield %scan3A_35 : i32
    }
    %scan3A_9 = arith.constant 5 : i32
    %barrier3A_10 = arith.constant 0 : index
    tpu.barrier barrier_id(%barrier3A_10)
    %mul3A_11 = arith.constant 10112 : i32
    %mul3A_12 = arith.muli %arg0, %mul3A_11 : i32
    %add3A_13 = arith.addi %mul3A_12, %mul3A_2 : i32
    "tpu.region"() ({
      %run_scoped3A_14 = tpu.sem_alloc : memref<!tpu.dma_semaphore, #tpu.memory_space<semaphore_mem>>
      %dma_start3A = arith.constant 0 : i32
      %dma_start3A_15 = tpu.memref_slice %arg6[%add3A_13, %dma_start3A] : memref<20224x128xf32, #tpu.memory_space<hbm>> -> memref<632x128xf32, #tpu.memory_space<hbm>>
      %dma_start3A_16 = arith.constant 0 : i32
      %dma_start3A_17 = tpu.memref_slice %arg12[%mul3A_2, %dma_start3A_16] : memref<10112x128xf32, #tpu.memory_space<vmem_shared>> -> memref<632x128xf32, #tpu.memory_space<vmem_shared>>
      tpu.enqueue_dma source(%dma_start3A_17 : memref<632x128xf32, #tpu.memory_space<vmem_shared>>) target(%dma_start3A_15 : memref<632x128xf32, #tpu.memory_space<hbm>>) target_semaphore(%run_scoped3A_14 : memref<!tpu.dma_semaphore, #tpu.memory_space<semaphore_mem>>)
      %dma_wait3A = arith.constant 0 : i32
      %dma_wait3A_18 = tpu.memref_slice %arg6[%add3A_13, %dma_wait3A] : memref<20224x128xf32, #tpu.memory_space<hbm>> -> memref<632x128xf32, #tpu.memory_space<hbm>>
      %dma_wait3A_19 = arith.constant 0 : i32
      %dma_wait3A_20 = tpu.memref_slice %arg12[%mul3A_2, %dma_wait3A_19] : memref<10112x128xf32, #tpu.memory_space<vmem_shared>> -> memref<632x128xf32, #tpu.memory_space<vmem_shared>>
      tpu.wait_dma2 semaphore(%run_scoped3A_14 : memref<!tpu.dma_semaphore, #tpu.memory_space<semaphore_mem>>) src(%dma_wait3A_20 : memref<632x128xf32, #tpu.memory_space<vmem_shared>>) dst(%dma_wait3A_18 : memref<632x128xf32, #tpu.memory_space<hbm>>)
      tpu.yield
    }) : () -> ()
    "tpu.region"() ({
      %run_scoped3A_14 = tpu.sem_alloc : memref<!tpu.dma_semaphore, #tpu.memory_space<semaphore_mem>>
      %dma_start3A = arith.constant 0 : i32
      %dma_start3A_15 = tpu.memref_slice %arg7[%add3A, %dma_start3A] : memref<32x10112xf32, #tpu.memory_space<hbm>> -> memref<1x10112xf32, #tpu.memory_space<hbm>>
      %dma_start3A_16 = tpu.memref_squeeze %dma_start3A_15 : memref<1x10112xf32, #tpu.memory_space<hbm>> -> memref<10112xf32, #tpu.memory_space<hbm>>
      %dma_start3A_17 = arith.constant 0 : i32
      %dma_start3A_18 = tpu.memref_slice %arg7[%add3A, %dma_start3A_17] : memref<32x10112xf32, #tpu.memory_space<hbm>> -> memref<1x10112xf32, #tpu.memory_space<hbm>>
      %dma_start3A_19 = tpu.memref_squeeze %dma_start3A_18 : memref<1x10112xf32, #tpu.memory_space<hbm>> -> memref<10112xf32, #tpu.memory_space<hbm>>
      tpu.enqueue_dma source(%arg13 : memref<10112xf32, #tpu.memory_space<vmem>>) target(%dma_start3A_19 : memref<10112xf32, #tpu.memory_space<hbm>>) target_semaphore(%run_scoped3A_14 : memref<!tpu.dma_semaphore, #tpu.memory_space<semaphore_mem>>)
      %dma_wait3A = arith.constant 0 : i32
      %dma_wait3A_20 = tpu.memref_slice %arg7[%add3A, %dma_wait3A] : memref<32x10112xf32, #tpu.memory_space<hbm>> -> memref<1x10112xf32, #tpu.memory_space<hbm>>
      %dma_wait3A_21 = tpu.memref_squeeze %dma_wait3A_20 : memref<1x10112xf32, #tpu.memory_space<hbm>> -> memref<10112xf32, #tpu.memory_space<hbm>>
      %dma_wait3A_22 = arith.constant 0 : i32
      %dma_wait3A_23 = tpu.memref_slice %arg7[%add3A, %dma_wait3A_22] : memref<32x10112xf32, #tpu.memory_space<hbm>> -> memref<1x10112xf32, #tpu.memory_space<hbm>>
      %dma_wait3A_24 = tpu.memref_squeeze %dma_wait3A_23 : memref<1x10112xf32, #tpu.memory_space<hbm>> -> memref<10112xf32, #tpu.memory_space<hbm>>
      tpu.wait_dma2 semaphore(%run_scoped3A_14 : memref<!tpu.dma_semaphore, #tpu.memory_space<semaphore_mem>>) src(%arg13 : memref<10112xf32, #tpu.memory_space<vmem>>) dst(%dma_wait3A_24 : memref<10112xf32, #tpu.memory_space<hbm>>)
      tpu.yield
    }) : () -> ()
    return
  }
}

#map = affine_map<(d0, d1) -> (0, 0)>
#map1 = affine_map<(d0, d1) -> (0, 0, 0, 0)>
module attributes {stable_mosaic.version = 14 : i64} {
  func.func @_sc_edge_body(%arg0: i32, %arg1: i32, %arg2: memref<10112x128xf32, #tpu.memory_space<hbm>>, %arg3: memref<2x32x80x125xi32, #tpu.memory_space<hbm>>, %arg4: memref<10112x128xf32, #tpu.memory_space<hbm>>, %arg5: memref<1x10112xf32, #tpu.memory_space<hbm>>, %arg6: memref<20224x128xf32, #tpu.memory_space<hbm>>, %arg7: memref<16x125xi32, #tpu.memory_space<vmem>>, %arg8: memref<16x125xi32, #tpu.memory_space<vmem>>, %arg9: memref<125x128xf32, #tpu.memory_space<vmem>>, %arg10: memref<125x128xf32, #tpu.memory_space<vmem>>, %arg11: memref<10112x128xf32, #tpu.memory_space<vmem_shared>>, %arg12: memref<!tpu.dma_semaphore, #tpu.memory_space<semaphore_mem>>, %arg13: memref<!tpu.dma_semaphore, #tpu.memory_space<semaphore_mem>>) attributes {dimension_semantics = [#tpu.dimension_semantics<core_parallel>, #tpu.dimension_semantics<subcore_parallel>], iteration_bounds = array<i64: 2, 16>, scalar_prefetch = 0 : i64, scratch_operands = 7 : i64, tpu.core_type = #tpu.core_type<sc_vector_subcore>, window_params = [{transform_indices = #map}, {transform_indices = #map1}, {transform_indices = #map}, {transform_indices = #map}, {transform_indices = #map}]} {
    %mul3A = arith.constant 2 : i32
    %mul3A_0 = arith.muli %arg1, %mul3A : i32
    %add3A = arith.addi %mul3A_0, %arg0 : i32
    %mul3A_1 = arith.constant 632 : i32
    %mul3A_2 = arith.muli %arg1, %mul3A_1 : i32
    "tpu.region"() ({
      %run_scoped3A = tpu.sem_alloc : memref<!tpu.dma_semaphore, #tpu.memory_space<semaphore_mem>>
      %dma_start3A = arith.constant 0 : i32
      %dma_start3A_14 = tpu.memref_slice %arg11[%mul3A_2, %dma_start3A] : memref<10112x128xf32, #tpu.memory_space<vmem_shared>> -> memref<632x128xf32, #tpu.memory_space<vmem_shared>>
      %dma_start3A_15 = arith.constant 0 : i32
      %dma_start3A_16 = tpu.memref_slice %arg4[%mul3A_2, %dma_start3A_15] : memref<10112x128xf32, #tpu.memory_space<hbm>> -> memref<632x128xf32, #tpu.memory_space<hbm>>
      tpu.enqueue_dma source(%dma_start3A_16 : memref<632x128xf32, #tpu.memory_space<hbm>>) target(%dma_start3A_14 : memref<632x128xf32, #tpu.memory_space<vmem_shared>>) target_semaphore(%run_scoped3A : memref<!tpu.dma_semaphore, #tpu.memory_space<semaphore_mem>>)
      %dma_wait3A = arith.constant 0 : i32
      %dma_wait3A_17 = tpu.memref_slice %arg11[%mul3A_2, %dma_wait3A] : memref<10112x128xf32, #tpu.memory_space<vmem_shared>> -> memref<632x128xf32, #tpu.memory_space<vmem_shared>>
      %dma_wait3A_18 = arith.constant 0 : i32
      %dma_wait3A_19 = tpu.memref_slice %arg4[%mul3A_2, %dma_wait3A_18] : memref<10112x128xf32, #tpu.memory_space<hbm>> -> memref<632x128xf32, #tpu.memory_space<hbm>>
      tpu.wait_dma2 semaphore(%run_scoped3A : memref<!tpu.dma_semaphore, #tpu.memory_space<semaphore_mem>>) src(%dma_wait3A_19 : memref<632x128xf32, #tpu.memory_space<hbm>>) dst(%dma_wait3A_17 : memref<632x128xf32, #tpu.memory_space<vmem_shared>>)
      tpu.yield
    }) : () -> ()
    %barrier3A = arith.constant 0 : index
    tpu.barrier barrier_id(%barrier3A)
    %broadcast_in_dim3A = arith.constant 1.000000e+00 : f32
    %broadcast_in_dim3A_3 = vector.broadcast %broadcast_in_dim3A : f32 to vector<16xf32>
    %scan3A = arith.constant 0 : i32
    %scan3A_4 = arith.constant 0 : i32
    %scan3A_5 = arith.constant 5 : i32
    %scan3A_6 = arith.addi %scan3A_4, %scan3A_5 : i32
    %scan3A_7 = arith.constant 1 : i32
    %scan3A_8 = scf.for %scan3A_14 = %scan3A_4 to %scan3A_6 step %scan3A_7 iter_args(%scan3A_15 = %scan3A) -> (i32)  : i32 {
      %mul3A_16 = arith.constant 16 : i32
      %mul3A_17 = arith.muli %scan3A_14, %mul3A_16 : i32
      %run_scoped3A = arith.constant 0 : i32
      "tpu.region"() ({
        %run_scoped3A_35 = tpu.sem_alloc : memref<!tpu.dma_semaphore, #tpu.memory_space<semaphore_mem>>
        %dma_start3A_36 = arith.constant 0 : i32
        %dma_start3A_37 = tpu.memref_slice %arg3[%run_scoped3A, %add3A, %mul3A_17, %dma_start3A_36] : memref<2x32x80x125xi32, #tpu.memory_space<hbm>> -> memref<1x1x16x125xi32, #tpu.memory_space<hbm>>
        %dma_start3A_38 = tpu.memref_squeeze %dma_start3A_37 : memref<1x1x16x125xi32, #tpu.memory_space<hbm>> -> memref<16x125xi32, #tpu.memory_space<hbm>>
        %dma_start3A_39 = arith.constant 0 : i32
        %dma_start3A_40 = tpu.memref_slice %arg3[%run_scoped3A, %add3A, %mul3A_17, %dma_start3A_39] : memref<2x32x80x125xi32, #tpu.memory_space<hbm>> -> memref<1x1x16x125xi32, #tpu.memory_space<hbm>>
        %dma_start3A_41 = tpu.memref_squeeze %dma_start3A_40 : memref<1x1x16x125xi32, #tpu.memory_space<hbm>> -> memref<16x125xi32, #tpu.memory_space<hbm>>
        tpu.enqueue_dma source(%dma_start3A_41 : memref<16x125xi32, #tpu.memory_space<hbm>>) target(%arg7 : memref<16x125xi32, #tpu.memory_space<vmem>>) target_semaphore(%run_scoped3A_35 : memref<!tpu.dma_semaphore, #tpu.memory_space<semaphore_mem>>)
        %dma_wait3A = arith.constant 0 : i32
        %dma_wait3A_42 = tpu.memref_slice %arg3[%run_scoped3A, %add3A, %mul3A_17, %dma_wait3A] : memref<2x32x80x125xi32, #tpu.memory_space<hbm>> -> memref<1x1x16x125xi32, #tpu.memory_space<hbm>>
        %dma_wait3A_43 = tpu.memref_squeeze %dma_wait3A_42 : memref<1x1x16x125xi32, #tpu.memory_space<hbm>> -> memref<16x125xi32, #tpu.memory_space<hbm>>
        %dma_wait3A_44 = arith.constant 0 : i32
        %dma_wait3A_45 = tpu.memref_slice %arg3[%run_scoped3A, %add3A, %mul3A_17, %dma_wait3A_44] : memref<2x32x80x125xi32, #tpu.memory_space<hbm>> -> memref<1x1x16x125xi32, #tpu.memory_space<hbm>>
        %dma_wait3A_46 = tpu.memref_squeeze %dma_wait3A_45 : memref<1x1x16x125xi32, #tpu.memory_space<hbm>> -> memref<16x125xi32, #tpu.memory_space<hbm>>
        tpu.wait_dma2 semaphore(%run_scoped3A_35 : memref<!tpu.dma_semaphore, #tpu.memory_space<semaphore_mem>>) src(%dma_wait3A_46 : memref<16x125xi32, #tpu.memory_space<hbm>>) dst(%arg7 : memref<16x125xi32, #tpu.memory_space<vmem>>)
        tpu.yield
      }) : () -> ()
      %mul3A_18 = arith.constant 16 : i32
      %mul3A_19 = arith.muli %scan3A_14, %mul3A_18 : i32
      %run_scoped3A_20 = arith.constant 1 : i32
      "tpu.region"() ({
        %run_scoped3A_35 = tpu.sem_alloc : memref<!tpu.dma_semaphore, #tpu.memory_space<semaphore_mem>>
        %dma_start3A_36 = arith.constant 0 : i32
        %dma_start3A_37 = tpu.memref_slice %arg3[%run_scoped3A_20, %add3A, %mul3A_19, %dma_start3A_36] : memref<2x32x80x125xi32, #tpu.memory_space<hbm>> -> memref<1x1x16x125xi32, #tpu.memory_space<hbm>>
        %dma_start3A_38 = tpu.memref_squeeze %dma_start3A_37 : memref<1x1x16x125xi32, #tpu.memory_space<hbm>> -> memref<16x125xi32, #tpu.memory_space<hbm>>
        %dma_start3A_39 = arith.constant 0 : i32
        %dma_start3A_40 = tpu.memref_slice %arg3[%run_scoped3A_20, %add3A, %mul3A_19, %dma_start3A_39] : memref<2x32x80x125xi32, #tpu.memory_space<hbm>> -> memref<1x1x16x125xi32, #tpu.memory_space<hbm>>
        %dma_start3A_41 = tpu.memref_squeeze %dma_start3A_40 : memref<1x1x16x125xi32, #tpu.memory_space<hbm>> -> memref<16x125xi32, #tpu.memory_space<hbm>>
        tpu.enqueue_dma source(%dma_start3A_41 : memref<16x125xi32, #tpu.memory_space<hbm>>) target(%arg8 : memref<16x125xi32, #tpu.memory_space<vmem>>) target_semaphore(%run_scoped3A_35 : memref<!tpu.dma_semaphore, #tpu.memory_space<semaphore_mem>>)
        %dma_wait3A = arith.constant 0 : i32
        %dma_wait3A_42 = tpu.memref_slice %arg3[%run_scoped3A_20, %add3A, %mul3A_19, %dma_wait3A] : memref<2x32x80x125xi32, #tpu.memory_space<hbm>> -> memref<1x1x16x125xi32, #tpu.memory_space<hbm>>
        %dma_wait3A_43 = tpu.memref_squeeze %dma_wait3A_42 : memref<1x1x16x125xi32, #tpu.memory_space<hbm>> -> memref<16x125xi32, #tpu.memory_space<hbm>>
        %dma_wait3A_44 = arith.constant 0 : i32
        %dma_wait3A_45 = tpu.memref_slice %arg3[%run_scoped3A_20, %add3A, %mul3A_19, %dma_wait3A_44] : memref<2x32x80x125xi32, #tpu.memory_space<hbm>> -> memref<1x1x16x125xi32, #tpu.memory_space<hbm>>
        %dma_wait3A_46 = tpu.memref_squeeze %dma_wait3A_45 : memref<1x1x16x125xi32, #tpu.memory_space<hbm>> -> memref<16x125xi32, #tpu.memory_space<hbm>>
        tpu.wait_dma2 semaphore(%run_scoped3A_35 : memref<!tpu.dma_semaphore, #tpu.memory_space<semaphore_mem>>) src(%dma_wait3A_46 : memref<16x125xi32, #tpu.memory_space<hbm>>) dst(%arg8 : memref<16x125xi32, #tpu.memory_space<vmem>>)
        tpu.yield
      }) : () -> ()
      %dma_start3A = arith.constant 0 : i32
      %dma_start3A_21 = arith.constant 0 : i32
      %dma_start3A_22 = tpu.memref_slice %arg7[%dma_start3A, %dma_start3A_21] : memref<16x125xi32, #tpu.memory_space<vmem>> -> memref<1x125xi32, #tpu.memory_space<vmem>>
      %dma_start3A_23 = tpu.memref_squeeze %dma_start3A_22 : memref<1x125xi32, #tpu.memory_space<vmem>> -> memref<125xi32, #tpu.memory_space<vmem>>
      %dma_start3A_24 = arith.constant 0 : i32
      %dma_start3A_25 = arith.constant 0 : i32
      %dma_start3A_26 = tpu.memref_slice %arg2[%dma_start3A_24, %dma_start3A_25] : memref<10112x128xf32, #tpu.memory_space<hbm>> -> memref<10112x128xf32, #tpu.memory_space<hbm>>
      tpu.enqueue_indirect_dma source(%dma_start3A_26 : memref<10112x128xf32, #tpu.memory_space<hbm>>) target(%arg9 : memref<125x128xf32, #tpu.memory_space<vmem>>) offsets(%dma_start3A_23 : memref<125xi32, #tpu.memory_space<vmem>>) semaphore(%arg12 : memref<!tpu.dma_semaphore, #tpu.memory_space<semaphore_mem>>)
      %scan3A_27 = arith.constant 0 : i32
      %scan3A_28 = arith.constant 0 : i32
      %scan3A_29 = arith.constant 8 : i32
      %scan3A_30 = arith.addi %scan3A_28, %scan3A_29 : i32
      %scan3A_31 = arith.constant 1 : i32
      %scan3A_32 = scf.for %scan3A_35 = %scan3A_28 to %scan3A_30 step %scan3A_31 iter_args(%scan3A_36 = %scan3A_27) -> (i32)  : i32 {
        %mul3A_37 = arith.constant 2 : i32
        %mul3A_38 = arith.muli %mul3A_37, %scan3A_35 : i32
        %add3A_39 = arith.constant 1 : i32
        %add3A_40 = arith.addi %mul3A_38, %add3A_39 : i32
        %dma_start3A_41 = arith.constant 0 : i32
        %dma_start3A_42 = tpu.memref_slice %arg7[%add3A_40, %dma_start3A_41] : memref<16x125xi32, #tpu.memory_space<vmem>> -> memref<1x125xi32, #tpu.memory_space<vmem>>
        %dma_start3A_43 = tpu.memref_squeeze %dma_start3A_42 : memref<1x125xi32, #tpu.memory_space<vmem>> -> memref<125xi32, #tpu.memory_space<vmem>>
        %dma_start3A_44 = arith.constant 0 : i32
        %dma_start3A_45 = arith.constant 0 : i32
        %dma_start3A_46 = tpu.memref_slice %arg2[%dma_start3A_44, %dma_start3A_45] : memref<10112x128xf32, #tpu.memory_space<hbm>> -> memref<10112x128xf32, #tpu.memory_space<hbm>>
        tpu.enqueue_indirect_dma source(%dma_start3A_46 : memref<10112x128xf32, #tpu.memory_space<hbm>>) target(%arg10 : memref<125x128xf32, #tpu.memory_space<vmem>>) offsets(%dma_start3A_43 : memref<125xi32, #tpu.memory_space<vmem>>) semaphore(%arg13 : memref<!tpu.dma_semaphore, #tpu.memory_space<semaphore_mem>>)
        %dma_wait3A = arith.constant 0 : i32
        %dma_wait3A_47 = tpu.memref_slice %arg7[%mul3A_38, %dma_wait3A] : memref<16x125xi32, #tpu.memory_space<vmem>> -> memref<1x125xi32, #tpu.memory_space<vmem>>
        %dma_wait3A_48 = tpu.memref_squeeze %dma_wait3A_47 : memref<1x125xi32, #tpu.memory_space<vmem>> -> memref<125xi32, #tpu.memory_space<vmem>>
        %dma_wait3A_49 = arith.constant 0 : i32
        %dma_wait3A_50 = arith.constant 0 : i32
        %dma_wait3A_51 = tpu.memref_slice %arg2[%dma_wait3A_49, %dma_wait3A_50] : memref<10112x128xf32, #tpu.memory_space<hbm>> -> memref<10112x128xf32, #tpu.memory_space<hbm>>
        tpu.wait_indirect_dma semaphore(%arg12 : memref<!tpu.dma_semaphore, #tpu.memory_space<semaphore_mem>>) src(%dma_wait3A_51 : memref<10112x128xf32, #tpu.memory_space<hbm>>) dst(%arg9 : memref<125x128xf32, #tpu.memory_space<vmem>>)
        "tpu.region"() ({
          %run_scoped3A_69 = tpu.sem_alloc : memref<!tpu.dma_semaphore, #tpu.memory_space<semaphore_mem>>
          %dma_start3A_70 = arith.constant 0 : i32
          %dma_start3A_71 = tpu.memref_slice %arg8[%mul3A_38, %dma_start3A_70] : memref<16x125xi32, #tpu.memory_space<vmem>> -> memref<1x125xi32, #tpu.memory_space<vmem>>
          %dma_start3A_72 = tpu.memref_squeeze %dma_start3A_71 : memref<1x125xi32, #tpu.memory_space<vmem>> -> memref<125xi32, #tpu.memory_space<vmem>>
          %dma_start3A_73 = arith.constant 0 : i32
          %dma_start3A_74 = arith.constant 0 : i32
          %dma_start3A_75 = tpu.memref_slice %arg11[%dma_start3A_73, %dma_start3A_74] : memref<10112x128xf32, #tpu.memory_space<vmem_shared>> -> memref<10112x128xf32, #tpu.memory_space<vmem_shared>>
          tpu.enqueue_indirect_dma source(%arg9 : memref<125x128xf32, #tpu.memory_space<vmem>>) target(%dma_start3A_75 : memref<10112x128xf32, #tpu.memory_space<vmem_shared>>) offsets(%dma_start3A_72 : memref<125xi32, #tpu.memory_space<vmem>>) semaphore(%run_scoped3A_69 : memref<!tpu.dma_semaphore, #tpu.memory_space<semaphore_mem>>) {add = true}
          %dma_wait3A_76 = arith.constant 0 : i32
          %dma_wait3A_77 = tpu.memref_slice %arg8[%mul3A_38, %dma_wait3A_76] : memref<16x125xi32, #tpu.memory_space<vmem>> -> memref<1x125xi32, #tpu.memory_space<vmem>>
          %dma_wait3A_78 = tpu.memref_squeeze %dma_wait3A_77 : memref<1x125xi32, #tpu.memory_space<vmem>> -> memref<125xi32, #tpu.memory_space<vmem>>
          %dma_wait3A_79 = arith.constant 0 : i32
          %dma_wait3A_80 = arith.constant 0 : i32
          %dma_wait3A_81 = tpu.memref_slice %arg11[%dma_wait3A_79, %dma_wait3A_80] : memref<10112x128xf32, #tpu.memory_space<vmem_shared>> -> memref<10112x128xf32, #tpu.memory_space<vmem_shared>>
          tpu.wait_indirect_dma semaphore(%run_scoped3A_69 : memref<!tpu.dma_semaphore, #tpu.memory_space<semaphore_mem>>) src(%arg9 : memref<125x128xf32, #tpu.memory_space<vmem>>) dst(%dma_wait3A_81 : memref<10112x128xf32, #tpu.memory_space<vmem_shared>>)
          tpu.yield
        }) : () -> ()
        %add3A_52 = arith.constant 2 : i32
        %add3A_53 = arith.addi %mul3A_38, %add3A_52 : i32
        %lt3A = arith.constant 16 : i32
        %lt3A_54 = arith.cmpi slt, %add3A_53, %lt3A : i32
        %convert_element_type3A = arith.extui %lt3A_54 : i1 to i32
        %cond3A = arith.constant 0 : i32
        %cond3A_55 = arith.cmpi ne, %convert_element_type3A, %cond3A : i32
        scf.if %cond3A_55 {
          %add3A_69 = arith.constant 2 : i32
          %add3A_70 = arith.addi %mul3A_38, %add3A_69 : i32
          %dma_start3A_71 = arith.constant 0 : i32
          %dma_start3A_72 = tpu.memref_slice %arg7[%add3A_70, %dma_start3A_71] : memref<16x125xi32, #tpu.memory_space<vmem>> -> memref<1x125xi32, #tpu.memory_space<vmem>>
          %dma_start3A_73 = tpu.memref_squeeze %dma_start3A_72 : memref<1x125xi32, #tpu.memory_space<vmem>> -> memref<125xi32, #tpu.memory_space<vmem>>
          %dma_start3A_74 = arith.constant 0 : i32
          %dma_start3A_75 = arith.constant 0 : i32
          %dma_start3A_76 = tpu.memref_slice %arg2[%dma_start3A_74, %dma_start3A_75] : memref<10112x128xf32, #tpu.memory_space<hbm>> -> memref<10112x128xf32, #tpu.memory_space<hbm>>
          tpu.enqueue_indirect_dma source(%dma_start3A_76 : memref<10112x128xf32, #tpu.memory_space<hbm>>) target(%arg9 : memref<125x128xf32, #tpu.memory_space<vmem>>) offsets(%dma_start3A_73 : memref<125xi32, #tpu.memory_space<vmem>>) semaphore(%arg12 : memref<!tpu.dma_semaphore, #tpu.memory_space<semaphore_mem>>)
        } else {
        }
        %add3A_56 = arith.constant 1 : i32
        %add3A_57 = arith.addi %mul3A_38, %add3A_56 : i32
        %dma_wait3A_58 = arith.constant 0 : i32
        %dma_wait3A_59 = tpu.memref_slice %arg7[%add3A_57, %dma_wait3A_58] : memref<16x125xi32, #tpu.memory_space<vmem>> -> memref<1x125xi32, #tpu.memory_space<vmem>>
        %dma_wait3A_60 = tpu.memref_squeeze %dma_wait3A_59 : memref<1x125xi32, #tpu.memory_space<vmem>> -> memref<125xi32, #tpu.memory_space<vmem>>
        %dma_wait3A_61 = arith.constant 0 : i32
        %dma_wait3A_62 = arith.constant 0 : i32
        %dma_wait3A_63 = tpu.memref_slice %arg2[%dma_wait3A_61, %dma_wait3A_62] : memref<10112x128xf32, #tpu.memory_space<hbm>> -> memref<10112x128xf32, #tpu.memory_space<hbm>>
        tpu.wait_indirect_dma semaphore(%arg13 : memref<!tpu.dma_semaphore, #tpu.memory_space<semaphore_mem>>) src(%dma_wait3A_63 : memref<10112x128xf32, #tpu.memory_space<hbm>>) dst(%arg10 : memref<125x128xf32, #tpu.memory_space<vmem>>)
        %add3A_64 = arith.constant 1 : i32
        %add3A_65 = arith.addi %mul3A_38, %add3A_64 : i32
        "tpu.region"() ({
          %run_scoped3A_69 = tpu.sem_alloc : memref<!tpu.dma_semaphore, #tpu.memory_space<semaphore_mem>>
          %dma_start3A_70 = arith.constant 0 : i32
          %dma_start3A_71 = tpu.memref_slice %arg8[%add3A_65, %dma_start3A_70] : memref<16x125xi32, #tpu.memory_space<vmem>> -> memref<1x125xi32, #tpu.memory_space<vmem>>
          %dma_start3A_72 = tpu.memref_squeeze %dma_start3A_71 : memref<1x125xi32, #tpu.memory_space<vmem>> -> memref<125xi32, #tpu.memory_space<vmem>>
          %dma_start3A_73 = arith.constant 0 : i32
          %dma_start3A_74 = arith.constant 0 : i32
          %dma_start3A_75 = tpu.memref_slice %arg11[%dma_start3A_73, %dma_start3A_74] : memref<10112x128xf32, #tpu.memory_space<vmem_shared>> -> memref<10112x128xf32, #tpu.memory_space<vmem_shared>>
          tpu.enqueue_indirect_dma source(%arg10 : memref<125x128xf32, #tpu.memory_space<vmem>>) target(%dma_start3A_75 : memref<10112x128xf32, #tpu.memory_space<vmem_shared>>) offsets(%dma_start3A_72 : memref<125xi32, #tpu.memory_space<vmem>>) semaphore(%run_scoped3A_69 : memref<!tpu.dma_semaphore, #tpu.memory_space<semaphore_mem>>) {add = true}
          %dma_wait3A_76 = arith.constant 0 : i32
          %dma_wait3A_77 = tpu.memref_slice %arg8[%add3A_65, %dma_wait3A_76] : memref<16x125xi32, #tpu.memory_space<vmem>> -> memref<1x125xi32, #tpu.memory_space<vmem>>
          %dma_wait3A_78 = tpu.memref_squeeze %dma_wait3A_77 : memref<1x125xi32, #tpu.memory_space<vmem>> -> memref<125xi32, #tpu.memory_space<vmem>>
          %dma_wait3A_79 = arith.constant 0 : i32
          %dma_wait3A_80 = arith.constant 0 : i32
          %dma_wait3A_81 = tpu.memref_slice %arg11[%dma_wait3A_79, %dma_wait3A_80] : memref<10112x128xf32, #tpu.memory_space<vmem_shared>> -> memref<10112x128xf32, #tpu.memory_space<vmem_shared>>
          tpu.wait_indirect_dma semaphore(%run_scoped3A_69 : memref<!tpu.dma_semaphore, #tpu.memory_space<semaphore_mem>>) src(%arg10 : memref<125x128xf32, #tpu.memory_space<vmem>>) dst(%dma_wait3A_81 : memref<10112x128xf32, #tpu.memory_space<vmem_shared>>)
          tpu.yield
        }) : () -> ()
        %add3A_66 = arith.constant 1 : i32
        %add3A_67 = arith.addi %mul3A_38, %add3A_66 : i32
        %scan3A_68 = arith.constant 0 : i32
        scf.yield %scan3A_68 : i32
      }
      %scan3A_33 = arith.constant 8 : i32
      %scan3A_34 = arith.constant 0 : i32
      scf.yield %scan3A_34 : i32
    }
    %scan3A_9 = arith.constant 5 : i32
    %barrier3A_10 = arith.constant 0 : index
    tpu.barrier barrier_id(%barrier3A_10)
    %mul3A_11 = arith.constant 10112 : i32
    %mul3A_12 = arith.muli %arg0, %mul3A_11 : i32
    %add3A_13 = arith.addi %mul3A_12, %mul3A_2 : i32
    "tpu.region"() ({
      %run_scoped3A = tpu.sem_alloc : memref<!tpu.dma_semaphore, #tpu.memory_space<semaphore_mem>>
      %dma_start3A = arith.constant 0 : i32
      %dma_start3A_14 = tpu.memref_slice %arg6[%add3A_13, %dma_start3A] : memref<20224x128xf32, #tpu.memory_space<hbm>> -> memref<632x128xf32, #tpu.memory_space<hbm>>
      %dma_start3A_15 = arith.constant 0 : i32
      %dma_start3A_16 = tpu.memref_slice %arg11[%mul3A_2, %dma_start3A_15] : memref<10112x128xf32, #tpu.memory_space<vmem_shared>> -> memref<632x128xf32, #tpu.memory_space<vmem_shared>>
      tpu.enqueue_dma source(%dma_start3A_16 : memref<632x128xf32, #tpu.memory_space<vmem_shared>>) target(%dma_start3A_14 : memref<632x128xf32, #tpu.memory_space<hbm>>) target_semaphore(%run_scoped3A : memref<!tpu.dma_semaphore, #tpu.memory_space<semaphore_mem>>)
      %dma_wait3A = arith.constant 0 : i32
      %dma_wait3A_17 = tpu.memref_slice %arg6[%add3A_13, %dma_wait3A] : memref<20224x128xf32, #tpu.memory_space<hbm>> -> memref<632x128xf32, #tpu.memory_space<hbm>>
      %dma_wait3A_18 = arith.constant 0 : i32
      %dma_wait3A_19 = tpu.memref_slice %arg11[%mul3A_2, %dma_wait3A_18] : memref<10112x128xf32, #tpu.memory_space<vmem_shared>> -> memref<632x128xf32, #tpu.memory_space<vmem_shared>>
      tpu.wait_dma2 semaphore(%run_scoped3A : memref<!tpu.dma_semaphore, #tpu.memory_space<semaphore_mem>>) src(%dma_wait3A_19 : memref<632x128xf32, #tpu.memory_space<vmem_shared>>) dst(%dma_wait3A_17 : memref<632x128xf32, #tpu.memory_space<hbm>>)
      tpu.yield
    }) : () -> ()
    return
  }
}

module attributes {stable_mosaic.version = 14 : i64} {
  func.func @_tc_pre_body(%arg0: i32, %arg1: memref<632x128xf32, #tpu.memory_space<vmem>>, %arg2: memref<632x1xi32, #tpu.memory_space<vmem>>, %arg3: memref<4x128x128xf32, #tpu.memory_space<vmem>>, %arg4: memref<4x1x128xf32, #tpu.memory_space<vmem>>, %arg5: memref<128x128xf32, #tpu.memory_space<vmem>>, %arg6: memref<632x128xf32, #tpu.memory_space<vmem>>) attributes {dimension_semantics = [#tpu.dimension_semantics<arbitrary>], iteration_bounds = array<i64: 16>, scalar_prefetch = 0 : i64, scratch_operands = 0 : i64, tpu.core_type = #tpu.core_type<tc>, window_params = [{transform_indices = @transform_0, window_bounds = array<i64: 632, 128>}, {transform_indices = @transform_1, window_bounds = array<i64: 632, 1>}, {pipeline_mode = #tpu.pipeline_mode<synchronous>, transform_indices = @transform_2, window_bounds = array<i64: 4, 128, 128>}, {pipeline_mode = #tpu.pipeline_mode<synchronous>, transform_indices = @transform_3, window_bounds = array<i64: 4, 1, 128>}, {pipeline_mode = #tpu.pipeline_mode<synchronous>, transform_indices = @transform_4, window_bounds = array<i64: 128, 128>}, {transform_indices = @transform_5, window_bounds = array<i64: 632, 128>}]} {
    %get3A = arith.constant 0 : index
    %get3A_0 = arith.constant 0 : index
    %get3A_1 = vector.load %arg1[%get3A, %get3A_0] : memref<632x128xf32, #tpu.memory_space<vmem>>, vector<632x128xf32>
    %get3A_2 = arith.constant 0 : index
    %get3A_3 = arith.constant 0 : index
    %get3A_4 = vector.load %arg2[%get3A_2, %get3A_3] : memref<632x1xi32, #tpu.memory_space<vmem>>, vector<632x1xi32>
    %broadcast_in_dim3A = arith.constant 0.000000e+00 : f32
    %broadcast_in_dim3A_5 = vector.broadcast %broadcast_in_dim3A : f32 to vector<632x128xf32>
    %get3A_6 = arith.constant 0 : index
    %get3A_7 = arith.constant 0 : index
    %get3A_8 = arith.constant 0 : index
    %get3A_9 = vector.load %arg3[%get3A_6, %get3A_7, %get3A_8] : memref<4x128x128xf32, #tpu.memory_space<vmem>>, vector<1x128x128xf32>
    %get3A_10 = vector.shape_cast %get3A_9 : vector<1x128x128xf32> to vector<128x128xf32>
    %dot_general3A = arith.constant dense<0.000000e+00> : vector<632x128xf32>
    %dot_general3A_11 = tpu.matmul %get3A_1, %get3A_10, %dot_general3A {dimension_numbers = #tpu.dot_dimension_numbers<[1], [0], [0], [1], [0, 0, 1, 1], [], []>, transpose_lhs_hint = false} : vector<632x128xf32>, vector<128x128xf32>, vector<632x128xf32> -> vector<632x128xf32>
    %get3A_12 = arith.constant 0 : index
    %get3A_13 = arith.constant 0 : index
    %get3A_14 = arith.constant 0 : index
    %get3A_15 = vector.load %arg4[%get3A_12, %get3A_13, %get3A_14] : memref<4x1x128xf32, #tpu.memory_space<vmem>>, vector<1x1x128xf32>
    %get3A_16 = vector.shape_cast %get3A_15 : vector<1x1x128xf32> to vector<1x128xf32>
    %add3A = vector.broadcast %get3A_16 : vector<1x128xf32> to vector<632x128xf32>
    %add3A_17 = arith.addf %dot_general3A_11, %add3A : vector<632x128xf32>
    %eq3A = arith.constant 0 : i32
    %eq3A_18 = vector.broadcast %eq3A : i32 to vector<632x1xi32>
    %eq3A_19 = arith.cmpi eq, %get3A_4, %eq3A_18 : vector<632x1xi32>
    %broadcast_in_dim3A_20 = vector.shape_cast %eq3A_19 : vector<632x1xi1> to vector<632x1xi1>
    %broadcast_in_dim3A_21 = vector.broadcast %broadcast_in_dim3A_20 : vector<632x1xi1> to vector<632x128xi1>
    %select_n3A = arith.select %broadcast_in_dim3A_21, %add3A_17, %broadcast_in_dim3A_5 : vector<632x128xi1>, vector<632x128xf32>
    %get3A_22 = arith.constant 1 : index
    %get3A_23 = arith.constant 0 : index
    %get3A_24 = arith.constant 0 : index
    %get3A_25 = vector.load %arg3[%get3A_22, %get3A_23, %get3A_24] : memref<4x128x128xf32, #tpu.memory_space<vmem>>, vector<1x128x128xf32>
    %get3A_26 = vector.shape_cast %get3A_25 : vector<1x128x128xf32> to vector<128x128xf32>
    %dot_general3A_27 = arith.constant dense<0.000000e+00> : vector<632x128xf32>
    %dot_general3A_28 = tpu.matmul %get3A_1, %get3A_26, %dot_general3A_27 {dimension_numbers = #tpu.dot_dimension_numbers<[1], [0], [0], [1], [0, 0, 1, 1], [], []>, transpose_lhs_hint = false} : vector<632x128xf32>, vector<128x128xf32>, vector<632x128xf32> -> vector<632x128xf32>
    %get3A_29 = arith.constant 1 : index
    %get3A_30 = arith.constant 0 : index
    %get3A_31 = arith.constant 0 : index
    %get3A_32 = vector.load %arg4[%get3A_29, %get3A_30, %get3A_31] : memref<4x1x128xf32, #tpu.memory_space<vmem>>, vector<1x1x128xf32>
    %get3A_33 = vector.shape_cast %get3A_32 : vector<1x1x128xf32> to vector<1x128xf32>
    %add3A_34 = vector.broadcast %get3A_33 : vector<1x128xf32> to vector<632x128xf32>
    %add3A_35 = arith.addf %dot_general3A_28, %add3A_34 : vector<632x128xf32>
    %eq3A_36 = arith.constant 1 : i32
    %eq3A_37 = vector.broadcast %eq3A_36 : i32 to vector<632x1xi32>
    %eq3A_38 = arith.cmpi eq, %get3A_4, %eq3A_37 : vector<632x1xi32>
    %broadcast_in_dim3A_39 = vector.shape_cast %eq3A_38 : vector<632x1xi1> to vector<632x1xi1>
    %broadcast_in_dim3A_40 = vector.broadcast %broadcast_in_dim3A_39 : vector<632x1xi1> to vector<632x128xi1>
    %select_n3A_41 = arith.select %broadcast_in_dim3A_40, %add3A_35, %select_n3A : vector<632x128xi1>, vector<632x128xf32>
    %get3A_42 = arith.constant 2 : index
    %get3A_43 = arith.constant 0 : index
    %get3A_44 = arith.constant 0 : index
    %get3A_45 = vector.load %arg3[%get3A_42, %get3A_43, %get3A_44] : memref<4x128x128xf32, #tpu.memory_space<vmem>>, vector<1x128x128xf32>
    %get3A_46 = vector.shape_cast %get3A_45 : vector<1x128x128xf32> to vector<128x128xf32>
    %dot_general3A_47 = arith.constant dense<0.000000e+00> : vector<632x128xf32>
    %dot_general3A_48 = tpu.matmul %get3A_1, %get3A_46, %dot_general3A_47 {dimension_numbers = #tpu.dot_dimension_numbers<[1], [0], [0], [1], [0, 0, 1, 1], [], []>, transpose_lhs_hint = false} : vector<632x128xf32>, vector<128x128xf32>, vector<632x128xf32> -> vector<632x128xf32>
    %get3A_49 = arith.constant 2 : index
    %get3A_50 = arith.constant 0 : index
    %get3A_51 = arith.constant 0 : index
    %get3A_52 = vector.load %arg4[%get3A_49, %get3A_50, %get3A_51] : memref<4x1x128xf32, #tpu.memory_space<vmem>>, vector<1x1x128xf32>
    %get3A_53 = vector.shape_cast %get3A_52 : vector<1x1x128xf32> to vector<1x128xf32>
    %add3A_54 = vector.broadcast %get3A_53 : vector<1x128xf32> to vector<632x128xf32>
    %add3A_55 = arith.addf %dot_general3A_48, %add3A_54 : vector<632x128xf32>
    %eq3A_56 = arith.constant 2 : i32
    %eq3A_57 = vector.broadcast %eq3A_56 : i32 to vector<632x1xi32>
    %eq3A_58 = arith.cmpi eq, %get3A_4, %eq3A_57 : vector<632x1xi32>
    %broadcast_in_dim3A_59 = vector.shape_cast %eq3A_58 : vector<632x1xi1> to vector<632x1xi1>
    %broadcast_in_dim3A_60 = vector.broadcast %broadcast_in_dim3A_59 : vector<632x1xi1> to vector<632x128xi1>
    %select_n3A_61 = arith.select %broadcast_in_dim3A_60, %add3A_55, %select_n3A_41 : vector<632x128xi1>, vector<632x128xf32>
    %get3A_62 = arith.constant 3 : index
    %get3A_63 = arith.constant 0 : index
    %get3A_64 = arith.constant 0 : index
    %get3A_65 = vector.load %arg3[%get3A_62, %get3A_63, %get3A_64] : memref<4x128x128xf32, #tpu.memory_space<vmem>>, vector<1x128x128xf32>
    %get3A_66 = vector.shape_cast %get3A_65 : vector<1x128x128xf32> to vector<128x128xf32>
    %dot_general3A_67 = arith.constant dense<0.000000e+00> : vector<632x128xf32>
    %dot_general3A_68 = tpu.matmul %get3A_1, %get3A_66, %dot_general3A_67 {dimension_numbers = #tpu.dot_dimension_numbers<[1], [0], [0], [1], [0, 0, 1, 1], [], []>, transpose_lhs_hint = false} : vector<632x128xf32>, vector<128x128xf32>, vector<632x128xf32> -> vector<632x128xf32>
    %get3A_69 = arith.constant 3 : index
    %get3A_70 = arith.constant 0 : index
    %get3A_71 = arith.constant 0 : index
    %get3A_72 = vector.load %arg4[%get3A_69, %get3A_70, %get3A_71] : memref<4x1x128xf32, #tpu.memory_space<vmem>>, vector<1x1x128xf32>
    %get3A_73 = vector.shape_cast %get3A_72 : vector<1x1x128xf32> to vector<1x128xf32>
    %add3A_74 = vector.broadcast %get3A_73 : vector<1x128xf32> to vector<632x128xf32>
    %add3A_75 = arith.addf %dot_general3A_68, %add3A_74 : vector<632x128xf32>
    %eq3A_76 = arith.constant 3 : i32
    %eq3A_77 = vector.broadcast %eq3A_76 : i32 to vector<632x1xi32>
    %eq3A_78 = arith.cmpi eq, %get3A_4, %eq3A_77 : vector<632x1xi32>
    %broadcast_in_dim3A_79 = vector.shape_cast %eq3A_78 : vector<632x1xi1> to vector<632x1xi1>
    %broadcast_in_dim3A_80 = vector.broadcast %broadcast_in_dim3A_79 : vector<632x1xi1> to vector<632x128xi1>
    %select_n3A_81 = arith.select %broadcast_in_dim3A_80, %add3A_75, %select_n3A_61 : vector<632x128xi1>, vector<632x128xf32>
    %get3A_82 = arith.constant 0 : index
    %get3A_83 = arith.constant 0 : index
    %get3A_84 = vector.load %arg5[%get3A_82, %get3A_83] : memref<128x128xf32, #tpu.memory_space<vmem>>, vector<128x128xf32>
    %dot_general3A_85 = arith.constant dense<0.000000e+00> : vector<632x128xf32>
    %dot_general3A_86 = tpu.matmul %select_n3A_81, %get3A_84, %dot_general3A_85 {dimension_numbers = #tpu.dot_dimension_numbers<[1], [0], [0], [1], [0, 0, 1, 1], [], []>, transpose_lhs_hint = false} : vector<632x128xf32>, vector<128x128xf32>, vector<632x128xf32> -> vector<632x128xf32>
    %swap3A = arith.constant 0 : index
    %swap3A_87 = arith.constant 0 : index
    %swap3A_88 = vector.load %arg6[%swap3A, %swap3A_87] : memref<632x128xf32, #tpu.memory_space<vmem>>, vector<632x128xf32>
    tpu.vector_store %arg6[%swap3A, %swap3A_87], %dot_general3A_86 {strides = array<i32>} : memref<632x128xf32, #tpu.memory_space<vmem>>, vector<632x128xf32>,
    return
  }
  func.func @transform_0(%arg0: i32) -> (i32, i32) {
    %c0_i32 = arith.constant 0 : i32
    %c0_i32_0 = arith.constant 0 : i32
    return %arg0, %c0_i32 : i32, i32
  }
  func.func @transform_1(%arg0: i32) -> (i32, i32) {
    %c0_i32 = arith.constant 0 : i32
    %c0_i32_0 = arith.constant 0 : i32
    return %arg0, %c0_i32 : i32, i32
  }
  func.func @transform_2(%arg0: i32) -> (i32, i32, i32) {
    %c0_i32 = arith.constant 0 : i32
    %c0_i32_0 = arith.constant 0 : i32
    %c0_i32_1 = arith.constant 0 : i32
    %c0_i32_2 = arith.constant 0 : i32
    return %c0_i32, %c0_i32_0, %c0_i32_1 : i32, i32, i32
  }
  func.func @transform_3(%arg0: i32) -> (i32, i32, i32) {
    %c0_i32 = arith.constant 0 : i32
    %c0_i32_0 = arith.constant 0 : i32
    %c0_i32_1 = arith.constant 0 : i32
    %c0_i32_2 = arith.constant 0 : i32
    return %c0_i32, %c0_i32_0, %c0_i32_1 : i32, i32, i32
  }
  func.func @transform_4(%arg0: i32) -> (i32, i32) {
    %c0_i32 = arith.constant 0 : i32
    %c0_i32_0 = arith.constant 0 : i32
    %c0_i32_1 = arith.constant 0 : i32
    return %c0_i32, %c0_i32_0 : i32, i32
  }
  func.func @transform_5(%arg0: i32) -> (i32, i32) {
    %c0_i32 = arith.constant 0 : i32
    %c0_i32_0 = arith.constant 0 : i32
    return %arg0, %c0_i32 : i32, i32
  }
}

module attributes {stable_mosaic.version = 14 : i64} {
  func.func @_tc_post_body(%arg0: i32, %arg1: memref<632x128xf32, #tpu.memory_space<vmem>>, %arg2: memref<632x128xf32, #tpu.memory_space<vmem>>, %arg3: memref<632x1xf32, #tpu.memory_space<vmem>>, %arg4: memref<1x128xf32, #tpu.memory_space<vmem>>, %arg5: memref<128x128xf32, #tpu.memory_space<vmem>>, %arg6: memref<632x128xf32, #tpu.memory_space<vmem>>) attributes {dimension_semantics = [#tpu.dimension_semantics<arbitrary>], iteration_bounds = array<i64: 16>, scalar_prefetch = 0 : i64, scratch_operands = 0 : i64, tpu.core_type = #tpu.core_type<tc>, window_params = [{transform_indices = @transform_0, window_bounds = array<i64: 632, 128>}, {transform_indices = @transform_1, window_bounds = array<i64: 632, 128>}, {transform_indices = @transform_2, window_bounds = array<i64: 632, 1>}, {pipeline_mode = #tpu.pipeline_mode<synchronous>, transform_indices = @transform_3, window_bounds = array<i64: 1, 128>}, {pipeline_mode = #tpu.pipeline_mode<synchronous>, transform_indices = @transform_4, window_bounds = array<i64: 128, 128>}, {transform_indices = @transform_5, window_bounds = array<i64: 632, 128>}]} {
    %get3A = arith.constant 0 : index
    %get3A_0 = arith.constant 0 : index
    %get3A_1 = vector.load %arg1[%get3A, %get3A_0] : memref<632x128xf32, #tpu.memory_space<vmem>>, vector<632x128xf32>
    %get3A_2 = arith.constant 0 : index
    %get3A_3 = arith.constant 0 : index
    %get3A_4 = vector.load %arg2[%get3A_2, %get3A_3] : memref<632x128xf32, #tpu.memory_space<vmem>>, vector<632x128xf32>
    %add3A = arith.addf %get3A_1, %get3A_4 : vector<632x128xf32>
    %get3A_5 = arith.constant 0 : index
    %get3A_6 = arith.constant 0 : index
    %get3A_7 = vector.load %arg3[%get3A_5, %get3A_6] : memref<632x1xf32, #tpu.memory_space<vmem>>, vector<632x1xf32>
    %mul3A = vector.broadcast %get3A_7 : vector<632x1xf32> to vector<632x128xf32>
    %mul3A_8 = arith.mulf %add3A, %mul3A : vector<632x128xf32>
    %get3A_9 = arith.constant 0 : index
    %get3A_10 = arith.constant 0 : index
    %get3A_11 = vector.load %arg4[%get3A_9, %get3A_10] : memref<1x128xf32, #tpu.memory_space<vmem>>, vector<1x128xf32>
    %add3A_12 = vector.broadcast %get3A_11 : vector<1x128xf32> to vector<632x128xf32>
    %add3A_13 = arith.addf %mul3A_8, %add3A_12 : vector<632x128xf32>
    %max3A = arith.constant 0.000000e+00 : f32
    %max3A_14 = vector.broadcast %max3A : f32 to vector<632x128xf32>
    %max3A_15 = arith.maximumf %add3A_13, %max3A_14 : vector<632x128xf32>
    %get3A_16 = arith.constant 0 : index
    %get3A_17 = arith.constant 0 : index
    %get3A_18 = vector.load %arg5[%get3A_16, %get3A_17] : memref<128x128xf32, #tpu.memory_space<vmem>>, vector<128x128xf32>
    %dot_general3A = arith.constant dense<0.000000e+00> : vector<632x128xf32>
    %dot_general3A_19 = tpu.matmul %max3A_15, %get3A_18, %dot_general3A {dimension_numbers = #tpu.dot_dimension_numbers<[1], [0], [0], [1], [0, 0, 1, 1], [], []>, transpose_lhs_hint = false} : vector<632x128xf32>, vector<128x128xf32>, vector<632x128xf32> -> vector<632x128xf32>
    %swap3A = arith.constant 0 : index
    %swap3A_20 = arith.constant 0 : index
    %swap3A_21 = vector.load %arg6[%swap3A, %swap3A_20] : memref<632x128xf32, #tpu.memory_space<vmem>>, vector<632x128xf32>
    tpu.vector_store %arg6[%swap3A, %swap3A_20], %dot_general3A_19 {strides = array<i32>} : memref<632x128xf32, #tpu.memory_space<vmem>>, vector<632x128xf32>,
    return
  }
  func.func @transform_0(%arg0: i32) -> (i32, i32) {
    %c0_i32 = arith.constant 0 : i32
    %c0_i32_0 = arith.constant 0 : i32
    return %arg0, %c0_i32 : i32, i32
  }
  func.func @transform_1(%arg0: i32) -> (i32, i32) {
    %add3A = arith.constant 16 : i32
    %add3A_0 = arith.addi %arg0, %add3A : i32
    %c0_i32 = arith.constant 0 : i32
    %c0_i32_1 = arith.constant 0 : i32
    return %add3A_0, %c0_i32 : i32, i32
  }
  func.func @transform_2(%arg0: i32) -> (i32, i32) {
    %c0_i32 = arith.constant 0 : i32
    %c0_i32_0 = arith.constant 0 : i32
    return %arg0, %c0_i32 : i32, i32
  }
  func.func @transform_3(%arg0: i32) -> (i32, i32) {
    %c0_i32 = arith.constant 0 : i32
    %c0_i32_0 = arith.constant 0 : i32
    %c0_i32_1 = arith.constant 0 : i32
    return %c0_i32, %c0_i32_0 : i32, i32
  }
  func.func @transform_4(%arg0: i32) -> (i32, i32) {
    %c0_i32 = arith.constant 0 : i32
    %c0_i32_0 = arith.constant 0 : i32
    %c0_i32_1 = arith.constant 0 : i32
    return %c0_i32, %c0_i32_0 : i32, i32
  }
  func.func @transform_5(%arg0: i32) -> (i32, i32) {
    %c0_i32 = arith.constant 0 : i32
    %c0_i32_0 = arith.constant 0 : i32
    return %arg0, %c0_i32 : i32, i32
  }
}

module attributes {stable_mosaic.version = 14 : i64} {
  func.func @_tc_post_body(%arg0: i32, %arg1: memref<632x128xf32, #tpu.memory_space<vmem>>, %arg2: memref<632x128xf32, #tpu.memory_space<vmem>>, %arg3: memref<632x1xf32, #tpu.memory_space<vmem>>, %arg4: memref<1x128xf32, #tpu.memory_space<vmem>>, %arg5: memref<8x128xf32, #tpu.memory_space<vmem>>, %arg6: memref<632x128xf32, #tpu.memory_space<vmem>>) attributes {dimension_semantics = [#tpu.dimension_semantics<arbitrary>], iteration_bounds = array<i64: 16>, scalar_prefetch = 0 : i64, scratch_operands = 0 : i64, tpu.core_type = #tpu.core_type<tc>, window_params = [{transform_indices = @transform_0, window_bounds = array<i64: 632, 128>}, {transform_indices = @transform_1, window_bounds = array<i64: 632, 128>}, {transform_indices = @transform_2, window_bounds = array<i64: 632, 1>}, {pipeline_mode = #tpu.pipeline_mode<synchronous>, transform_indices = @transform_3, window_bounds = array<i64: 1, 128>}, {pipeline_mode = #tpu.pipeline_mode<synchronous>, transform_indices = @transform_4, window_bounds = array<i64: 8, 128>}, {transform_indices = @transform_5, window_bounds = array<i64: 632, 128>}]} {
    %get3A = arith.constant 0 : index
    %get3A_0 = arith.constant 0 : index
    %get3A_1 = vector.load %arg1[%get3A, %get3A_0] : memref<632x128xf32, #tpu.memory_space<vmem>>, vector<632x128xf32>
    %get3A_2 = arith.constant 0 : index
    %get3A_3 = arith.constant 0 : index
    %get3A_4 = vector.load %arg2[%get3A_2, %get3A_3] : memref<632x128xf32, #tpu.memory_space<vmem>>, vector<632x128xf32>
    %add3A = arith.addf %get3A_1, %get3A_4 : vector<632x128xf32>
    %get3A_5 = arith.constant 0 : index
    %get3A_6 = arith.constant 0 : index
    %get3A_7 = vector.load %arg3[%get3A_5, %get3A_6] : memref<632x1xf32, #tpu.memory_space<vmem>>, vector<632x1xf32>
    %mul3A = vector.broadcast %get3A_7 : vector<632x1xf32> to vector<632x128xf32>
    %mul3A_8 = arith.mulf %add3A, %mul3A : vector<632x128xf32>
    %get3A_9 = arith.constant 0 : index
    %get3A_10 = arith.constant 0 : index
    %get3A_11 = vector.load %arg4[%get3A_9, %get3A_10] : memref<1x128xf32, #tpu.memory_space<vmem>>, vector<1x128xf32>
    %add3A_12 = vector.broadcast %get3A_11 : vector<1x128xf32> to vector<632x128xf32>
    %add3A_13 = arith.addf %mul3A_8, %add3A_12 : vector<632x128xf32>
    %max3A = arith.constant 0.000000e+00 : f32
    %max3A_14 = vector.broadcast %max3A : f32 to vector<632x128xf32>
    %max3A_15 = arith.maximumf %add3A_13, %max3A_14 : vector<632x128xf32>
    %swap3A = arith.constant 0 : index
    %swap3A_16 = arith.constant 0 : index
    %swap3A_17 = vector.load %arg6[%swap3A, %swap3A_16] : memref<632x128xf32, #tpu.memory_space<vmem>>, vector<632x128xf32>
    tpu.vector_store %arg6[%swap3A, %swap3A_16], %max3A_15 {strides = array<i32>} : memref<632x128xf32, #tpu.memory_space<vmem>>, vector<632x128xf32>,
    return
  }
  func.func @transform_0(%arg0: i32) -> (i32, i32) {
    %c0_i32 = arith.constant 0 : i32
    %c0_i32_0 = arith.constant 0 : i32
    return %arg0, %c0_i32 : i32, i32
  }
  func.func @transform_1(%arg0: i32) -> (i32, i32) {
    %add3A = arith.constant 16 : i32
    %add3A_0 = arith.addi %arg0, %add3A : i32
    %c0_i32 = arith.constant 0 : i32
    %c0_i32_1 = arith.constant 0 : i32
    return %add3A_0, %c0_i32 : i32, i32
  }
  func.func @transform_2(%arg0: i32) -> (i32, i32) {
    %c0_i32 = arith.constant 0 : i32
    %c0_i32_0 = arith.constant 0 : i32
    return %arg0, %c0_i32 : i32, i32
  }
  func.func @transform_3(%arg0: i32) -> (i32, i32) {
    %c0_i32 = arith.constant 0 : i32
    %c0_i32_0 = arith.constant 0 : i32
    %c0_i32_1 = arith.constant 0 : i32
    return %c0_i32, %c0_i32_0 : i32, i32
  }
  func.func @transform_4(%arg0: i32) -> (i32, i32) {
    %c0_i32 = arith.constant 0 : i32
    %c0_i32_0 = arith.constant 0 : i32
    %c0_i32_1 = arith.constant 0 : i32
    return %c0_i32, %c0_i32_0 : i32, i32
  }
  func.func @transform_5(%arg0: i32) -> (i32, i32) {
    %c0_i32 = arith.constant 0 : i32
    %c0_i32_0 = arith.constant 0 : i32
    return %arg0, %c0_i32 : i32, i32
  }
}

</mosaic_0001>

<sc_bundles>
// kernel: kernel.10.cloned.1.call-start
scs
__scs_entry_jumppad:
0x0: {  	(pc) =	sbr.rel $0x88, $3  }
0x1: {  	(tag) =	ssettag $0x0;
	lr =	simm.s32 $0x1  }
0x2: {  	[smem:$0x3F9A] =	sst lr;
	_ =	strace $0xD0000000  }
0x3: {  	_ = 	snop  }
0x4: {  	_ = 	snop  }
0x5: {  	_ = 	snop  }
0x6: {  	_ = 	snop  }
0x7: {  	_ = 	snop  }
__scs_overlays_trampoline_lowered:
0x8: {  	[smem:$0x3FA9] =	sst s0  }
0x9: {  	[smem:$0x3FAA] =	sst s1  }
0xa: {  	[smem:$0x3FAB] =	sst s2  }
0xb: {  	[smem:$0x3FAC] =	sst s3  }
0xc: {  	[smem:$0x3FAD] =	sst s4  }
0xd: {  	[smem:$0x3FAE] =	sst s5  }
0xe: {  	[smem:$0x3FAF] =	sst s6  }
0xf: {  	[smem:$0x3FB0] =	sst s7  }
0x10: {  	[smem:$0x3FB1] =	sst s8  }
0x11: {  	[smem:$0x3FB2] =	sst s9;
	s0 =	simm.s32 @!p0 $0x0  }
0x12: {  	s1 =	sld [smem:$0x3F98];
	s0 =	simm.s32 @p0 $0x1  }
0x13: {  	[smem:$0x3FB3] =	sst s0;
	s0 =	simm.s32 @!p1 $0x0  }
0x14: {  	s2 =	sld [smem:$0x3F97];
	s0 =	simm.s32 @p1 $0x1  }
0x15: {  	[smem:$0x3FB4] =	sst s0;
	s0 =	simm.s32 @!p2 $0x0  }
0x16: {  	s3 =	sld [smem:$0x3FDB];
	s0 =	simm.s32 @p2 $0x1  }
0x17: {  	s4 =	simm.s32 $0x1BF5;
	[smem:$0x3FB6] =	sst s0  }
0x18: {  	s0 =	sld [smem:$0x3F99];
	_ =	swait.ge [sflag:s4], $0x0  }
0x19: {  	s7 =	sld [smem:$0x3F9A]  }
0x1a: {  	s8 =	sadd.s32 $0xFFFFE003, lr  }
0x1b: {  	s9 =	sadd.s32 $0xFFFFFEF7, lr;
	s5 =	simm.s32 $0xFFFFFFFF;
	p2 =	slt.u32 s8, $0xFFFFF086  }
0x1c: {  	p1 =	slt.u32 s9, $0xF7A;
	s5 =	simm.s32 @!p2 $0x0  }
0x1d: {  	s5 =	simm.s32 @p1 $0x1;
	p0 =	seq.s32 s7, s2  }
0x1e: {  	s7 =	smul.u32 @!p0 $0xF7A, s2;
	p2 =	seq.s32 @!p0 s5, $0x0  }
0x1f: {  	s9 =	smul.u32 $0xF7A, s1;
	s8 =	simm.s32 @!p0 $0x1BF5;
	p2 =	por !p2, p0  }
0x20: {  	[sflag:s8] =	ssyncset.s32 @!p0 $0xFFFFF086;
	s6 =	sadd.s32 @!p0 s3, s7;
	s7 =	simm.s32 @!p0 $0x108  }
0x21: {  	s3 =	sadd.s32 s3, s9;
	s6 =	sadd.s32 @!p0 $0x88, s6;
	s7 =	simm.s32 @p2 $0x1082  }
0x22: {  	[simem:s7], [sflag:s8] =	dma.local @!p0 [hbm:s6], $0xF7A  }
0x23: {  	s9 =	sor.u32 $0xD0000000, s2;
	s6 =	simm.s32 $0x108;
	_ =	swait.ge @!p0 [sflag:s8], $0x0  }
0x24: {  	s3 =	sadd.s32 $0x88, s3;
	s6 =	simm.s32 @!p1 $0x1082;
	[sflag:s4] =	ssyncset.s32 $0xFFFFF086  }
0x25: {  	[simem:s6], [sflag:s4] =	dma.local [hbm:s3], $0xF7A  }
0x26: {  	[smem:$0x3F9A] =	sst s1;
	(tag) =	ssettag s2;
	_ =	strace s9  }
0x27: {  	s1 =	sld [smem:$0x3FAA]  }
0x28: {  	s2 =	sld [smem:$0x3FAB]  }
0x29: {  	s4 =	sld [smem:$0x3FAD]  }
0x2a: {  	p0 =	seq.s32 s5, $0x0;
	s5 =	sld [smem:$0x3FAE]  }
0x2b: {  	s6 =	sld [smem:$0x3FAF]  }
0x2c: {  	s7 =	sld [smem:$0x3FB0]  }
0x2d: {  	s3 =	simm.s32 $0x108;
	s8 =	sld [smem:$0x3FB1]  }
0x2e: {  	s3 =	simm.s32 @!p0 $0x1082;
	s9 =	sld [smem:$0x3FB2]  }
0x2f: {  	lr =	sadd.s32 s0, s3;
	s0 =	sld [smem:$0x3FA9]  }
0x30: {  	s3 =	sld [smem:$0x3FAC]  }
0x31: {  	[smem:$0x3FB5] =	sst s10  }
0x32: {  	s10 =	sld [smem:$0x3FB3];
	_ =	sdelay $0x3  }
0x33: {  	p0 =	seq.s32 s10, $0x1;
	s10 =	sld [smem:$0x3FB5];
	_ =	sdelay $0x3  }
0x34: {  	[smem:$0x3FB5] =	sst s10  }
0x35: {  	s10 =	sld [smem:$0x3FB4];
	_ =	sdelay $0x3  }
0x36: {  	p1 =	seq.s32 s10, $0x1;
	s10 =	sld [smem:$0x3FB5];
	_ =	sdelay $0x3  }
0x37: {  	[smem:$0x3FB5] =	sst s10  }
0x38: {  	s10 =	sld [smem:$0x3FB6]  }
0x39: {  	_ = 	snop;
	(pc) =	sbr.ind lr, $3  }
0x3a: {  	_ = 	snop  }
0x3b: {  	_ = 	snop  }
0x3c: {  	p2 =	seq.s32 s10, $0x1;
	s10 =	sld [smem:$0x3FB5]  }
0x3d: {  	_ =	shalt  }
0x3e: {  	_ =	shalt  }
0x3f: {  	_ =	shalt  }
0x40: {  	_ =	shalt  }
0x41: {  	_ =	shalt  }
0x42: {  	_ =	shalt  }
0x43: {  	_ =	shalt  }
0x44: {  	_ =	shalt  }
0x45: {  	_ =	shalt  }
0x46: {  	_ =	shalt  }
0x47: {  	_ =	shalt  }
0x48: {  	_ =	shalt  }
0x49: {  	_ =	shalt  }
0x4a: {  	_ =	shalt  }
0x4b: {  	_ =	shalt  }
0x4c: {  	_ =	shalt  }
0x4d: {  	_ =	shalt  }
0x4e: {  	_ =	shalt  }
0x4f: {  	_ =	shalt  }
0x50: {  	_ =	shalt  }
0x51: {  	_ =	shalt  }
0x52: {  	_ =	shalt  }
0x53: {  	_ =	shalt  }
0x54: {  	_ =	shalt  }
0x55: {  	_ =	shalt  }
0x56: {  	_ =	shalt  }
0x57: {  	_ =	shalt  }
0x58: {  	_ =	shalt  }
0x59: {  	_ =	shalt  }
0x5a: {  	_ =	shalt  }
0x5b: {  	_ =	shalt  }
0x5c: {  	_ =	shalt  }
0x5d: {  	_ =	shalt  }
0x5e: {  	_ =	shalt  }
0x5f: {  	_ =	shalt  }
0x60: {  	_ =	shalt  }
0x61: {  	_ =	shalt  }
0x62: {  	_ =	shalt  }
0x63: {  	_ =	shalt  }
0x64: {  	_ =	shalt  }
0x65: {  	_ =	shalt  }
0x66: {  	_ =	shalt  }
0x67: {  	_ =	shalt  }
0x68: {  	_ =	shalt  }
0x69: {  	_ =	shalt  }
0x6a: {  	_ =	shalt  }
0x6b: {  	_ =	shalt  }
0x6c: {  	_ =	shalt  }
0x6d: {  	_ =	shalt  }
0x6e: {  	_ =	shalt  }
0x6f: {  	_ =	shalt  }
0x70: {  	_ =	shalt  }
0x71: {  	_ =	shalt  }
0x72: {  	_ =	shalt  }
0x73: {  	_ =	shalt  }
0x74: {  	_ =	shalt  }
0x75: {  	_ =	shalt  }
0x76: {  	_ =	shalt  }
0x77: {  	_ =	shalt  }
0x78: {  	_ =	shalt  }
0x79: {  	_ =	shalt  }
0x7a: {  	_ =	shalt  }
0x7b: {  	_ =	shalt  }
0x7c: {  	_ =	shalt  }
0x7d: {  	_ =	shalt  }
0x7e: {  	_ =	shalt  }
0x7f: {  	_ =	shalt  }
0x80: {  	_ =	shalt  }
0x81: {  	_ =	shalt  }
0x82: {  	_ =	shalt  }
0x83: {  	_ =	shalt  }
0x84: {  	_ =	shalt  }
0x85: {  	_ =	shalt  }
0x86: {  	_ =	shalt  }
0x87: {  	_ =	shalt  }
.Lfunc_end0:
.L_simem_size_0:
called_computation.1_lowered:
.L_overlay_start_0:
0x88: {  	s2 =	sld [smem:$0x3FD9]  }
0x89: {  	s3 =	sld [smem:$0x3FFE];
	_ =	sdelay $0x1  }
0x8a: {  	s1 =	srdreg.scid  }
0x8b: {  	s0 =	sand.u32 $0x1, s1  }
0x8c: {  	s17 =	sshll.u32 s0, $0xA;
	s2 =	sadd.s32 s3, s2  }
0x8d: {  	s2 =	sadd.s32 s2, s17  }
0x8e: {  	[smem:$0x3FC1] =	sst s2  }
0x8f: {  	_ = 	snop  }
0x90: {  	s2 =	sld [smem:$0x3FD0];
	(tm) =	ssettm $0x1  }
0x91: {  	s18 =	sld [smem:$0x3FFB];
	_ =	sdelay $0x3  }
0x92: {  	_ =	strace s18  }
0x93: {  	s3 =	sld [smem:$0x3FFC];
	_ =	sdelay $0x3  }
0x94: {  	_ =	strace s3  }
0x95: {  	s3 =	sld [smem:$0x3FFD];
	_ =	sdelay $0x3  }
0x96: {  	_ =	strace s3  }
0x97: {  	_ =	strace $0x8FFFFFFF  }
0x98: {  	s19 =	sld [smem:$0x3FDB];
	_ =	sdelay $0x1  }
0x99: {  	s4 =	simm.s32 $_scs_section_size  }
0x9a: {  	s5 =	simm.s32 $_size__tile_overlayer_lowered;
	s6 =	simm.s32 $_tile_overlayer_lowered  }
0x9b: {  	s22 =	simm.s32 $0x1BFF;
	s21 =	sshll.u32 s6, $0x1;
	s3 =	sadd.s32 s4, s19  }
0x9c: {  	s7 =	simm.s32 $0x0;
	s20 =	sshll.u32 s5, $0x1;
	s5 =	sadd.s32 s21, s3  }
0x9d: {  	[timem:s7], [sflag:s22] =	dma.local [hbm:s5], s20  }
0x9e: {  	_ =	swait.ge [sflag:s22], s20  }
0x9f: {  	s4 =	ssub.s32 $0x0, s20;
	[sflag:s22] =	ssyncset.done $0x0  }
0xa0: {  	[sflag:s22] =	ssyncadd.s32 s4;
	_ =	sdelay $0x1  }
0xa1: {  	s23 =	simm.s32 $0x1B8B  }
0xa2: {  	_ =	swait.ge [sflag:s23], $0x1  }
0xa3: {  	[sflag:s23] =	ssyncset.done $0x0  }
0xa4: {  	s25 =	simm.s32 $0x1B8E;
	s24 =	sld [smem:$0x3FFE];
	[sflag:s23] =	ssyncadd.s32 $0xFFFFFFFF  }
0xa5: {  	s26 =	simm.s32 $execute0_lowered;
	[smem:$0x3FD2] =	sst s25  }
0xa6: {  	s5 =	sshll.u32 s26, $0x1;
	_ =	strace $0x80000049;
	[dreg:$0x1] =	wrdreg $0xFFFFFFFF  }
0xa7: {  	s28 =	simm.s32 $_size_execute0_lowered;
	s3 =	sadd.s32 s3, s5;
	[dreg:$0x0] =	wrdreg $0x0  }
0xa8: {  	s5 =	sshll.u32 s28, $0x1;
	[dreg:$0x2] =	wrdreg s3  }
0xa9: {  	[dreg:$0x3] =	wrdreg s5  }
0xaa: {  	[dreg:$0x4] =	wrdreg $0xC0  }
0xab: {  	_ =	task [dreg:s7], $0x5FFFF  }
0xac: {  	[dreg:$0x1] =	wrdreg $0xFFFFFFFF  }
0xad: {  	[dreg:$0x0] =	wrdreg $0x60  }
0xae: {  	[dreg:$0x2] =	wrdreg s24  }
0xaf: {  	[dreg:$0x3] =	wrdreg s2  }
0xb0: {  	[dreg:$0x4] =	wrdreg $0x90000  }
0xb1: {  	[dreg:$0x5] =	wrdreg $0x9  }
0xb2: {  	_ =	task.clear_ibuf [dreg:s7], $0x6FFFF;
	_ =	strace $0x90000049  }
0xb3: {  	s29 =	simm.s32 $0x9;
	_ =	strace $0x8000004B  }
0xb4: {  	_ =	swait.ge [sflag:s29], $0x1  }
0xb5: {  	[sflag:s29] =	ssyncadd.s32 $0xFFFFFFFF  }
0xb6: {  	_ =	strace $0x9000004B  }
0xb7: {  	_ =	sfence  }
0xb8: {  	s30 =	sld [smem:$0x0];
	_ =	sdelay $0x2  }
0xb9: {  	s31 =	sshll.u32 s1, $0xD;
	s1 =	sshrl.u32 s1, $0x2  }
0xba: {  	s3 =	sand.u32 $0x4000, s31;
	s1 =	sadd.s32 s1, s30  }
0xbb: {  	s0 =	sor.u32 s3, s0;
	s1 =	sshll.u32 s1, $0x11  }
0xbc: {  	s0 =	sor.u32 s1, s0  }
0xbd: {  	s0 =	sadd.s32 $0x8F2B, s0  }
0xbe: {  	[sflag:s0] =	ssyncadd.remote.s32 $0x1  }
0xbf: {  	_ =	sfence.sel $0xFFFF  }
0xc0: {  	[dreg:$0x0] =	wrdreg $0xFFFFFFFF;
	(pc) =	sbr.abs _section_cstart, $3  }
0xc1: {  	[dreg:$0x1] =	wrdreg $0xFFFFFFFF  }
0xc2: {  	_ =	task.clear_ibuf [dreg:s7], $0x2FFFF;
	_ =	strace $0x9FFFFFFF  }
0xc3: {  	(tm) =	ssettm $0x7FFFFFFF  }
tec
execute0_lowered:
.L_overlay_start_1:
0x0: {  	(tag) =	ssettag $0x1  }
0x1: {  	s0 =	rddreg [dreg:$0x0]  }
0x2: {  	s1 =	rddreg [dreg:$0x1];
	s11 =	stileid.u32  }
0x3: {  	s3 =	srdreg.scid;
	s2 =	rddreg [dreg:$0x2];
	s12 =	simm.s32 $0x100  }
0x4: {  	s14 =	simm.s32 $0x880;
	s16 =	simm.s32 $0x180;
	s17 =	simm.s32 $0x900  }
0x5: {  	s18 =	simm.s32 $0x200;
	s20 =	simm.s32 $0x980;
	s21 =	simm.s32 $0x280  }
0x6: {  	s22 =	simm.s32 $0xA00;
	s6 =	sand.u32 $0x1, s3;
	s3 =	simm.s32 $0x0  }
0x7: {  	s28 =	simm.s32 $0x680;
	s29 =	simm.s32 $0xE00;
	[smem:$0x7FF] =	sst s3  }
0x8: {  	s30 =	simm.s32 $0x700;
	_ =	strace $0x8000004A;
	[dreg:$0x7] =	wrdreg s12  }
0x9: {  	s31 =	simm.s32 $0xE80;
	s5 =	smul.u32 $0x2780, s11;
	[dreg:$0x8] =	wrdreg s14  }
0xa: {  	s8 =	smul.u32 $0x5000, s11;
	s4 =	sadd.s32 $0x2400, s0;
	[dreg:$0x9] =	wrdreg s16  }
0xb: {  	s26 =	smul.u32 $0x4F000, s11;
	s15 =	sshll.u32 s11, $0x6;
	[dreg:$0xa] =	wrdreg s17  }
0xc: {  	s11 =	simm.s32 $0x800;
	s7 =	smul.u32 $0x27800, s6;
	[dreg:$0xb] =	wrdreg s18  }
0xd: {  	s9 =	smul.u32 $0x2800, s6;
	s23 =	ssub.s32 $0x2, s6;
	[dreg:$0xc] =	wrdreg s20  }
0xe: {  	s10 =	sadd.s32 s5, s0;
	s25 =	sshrl.u32 s23, $0x1;
	[dreg:$0xd] =	wrdreg s21  }
0xf: {  	[dreg:$0xe] =	wrdreg s22;
	s12 =	simm.s32 $0x7D;
	s14 =	simm.s32 $0x5000  }
0x10: {  	s16 =	simm.s32 $0x2;
	s17 =	simm.s32 $0x400;
	s18 =	simm.s32 $0xB80  }
0x11: {  	s20 =	simm.s32 $0xC00;
	s21 =	simm.s32 $0x500;
	s22 =	simm.s32 $0xC80  }
0x12: {  	s5 =	sadd.s32 s5, s7;
	s24 =	sadd.s32 s9, s8;
	s9 =	simm.s32 $0x80  }
0x13: {  	s13 =	sadd.s32 $0x29C00, s10;
	s7 =	sor.u32 $0x1C03, s15;
	s10 =	simm.s32 $0x3  }
0x14: {  	s15 =	simm.s32 $0x1;
	s0 =	sadd.s32 s5, s0;
	s8 =	sshrl.u32 s24, $0x3  }
0x15: {  	s6 =	sadd.s32 $0x50000, s24;
	s5 =	ssub.s32 s23, s25;
	[dreg:$0x6] =	wrdreg s9  }
0x16: {  	[dreg:$0x13] =	wrdreg s13;
	s23 =	simm.s32 $0x300;
	s24 =	simm.s32 $0xA80  }
0x17: {  	s13 =	simm.s32 $0x1000;
	s25 =	simm.s32 $0x380;
	[dreg:$0x14] =	wrdreg s7  }
0x18: {  	s9 =	simm.s32 $0x0;
	s8 =	sadd.s32 s8, s1;
	[dreg:$0xf] =	wrdreg s23  }
0x19: {  	s6 =	sshrl.u32 s6, $0x3;
	s0 =	sadd.s32 $0x51A00, s0;
	[dreg:$0x10] =	wrdreg s24  }
0x1a: {  	s19 =	smax.u32 s5, $0x1;
	[dreg:$0x11] =	wrdreg s25;
	s23 =	simm.s32 $0x580  }
0x1b: {  	s24 =	simm.s32 $0xD00;
	s25 =	simm.s32 $0x600;
	[dreg:$0x4] =	wrdreg s8  }
0x1c: {  	s5 =	simm.s32 $0xF80;
	s1 =	sadd.s32 s6, s1;
	[dreg:$0x15] =	wrdreg s0  }
0x1d: {  	s8 =	sshrl.u32 s26, $0x2;
	[dreg:$0x16] =	wrdreg s19;
	s26 =	simm.s32 $0xB00  }
0x1e: {  	s19 =	simm.s32 $0x480;
	[dreg:$0x5] =	wrdreg s1;
	s6 =	sadd.s32 s8, s2  }
0x1f: {  	s0 =	simm.s32 $0xF00;
	[dreg:$0x12] =	wrdreg s26;
	s8 =	sshrl.u32 s6, $0x3  }
0x20: {  	s26 =	simm.s32 $0xD80;
	s1 =	simm.s32 $0x780;
	[dreg:$0x17] =	wrdreg s8  }
.LBB2_1:
0x21: {  	[dreg:$0x18] =	wrdreg s9  }
0x22: {  	s6 =	rddreg [dreg:$0x13]  }
0x23: {  	[spmem:s8], [sflag:s7] =	dma.local [hbm:s6], $0x2780  }
0x24: {  	_ =	swait.ge [sflag:s10], $0x2780  }
0x25: {  	[sflag:s10] =	ssyncset.done $0x0  }
0x26: {  	[sflag:s10] =	ssyncadd.s32 $0xFFFFD880  }
0x27: {  	[bflag:$0x0] =	sbarrier.arrive $0xFFFF  }
0x28: {  	s7 =	rddreg [dreg:$0x4]  }
0x29: {  	s6 =	sadd.s32 $0x0, s7  }
0x2a: {  	[tilespmem:s3], [sflag:$0x3] =	stream.linear.gather [hbm4b:s6+s3], $0x800, $0x38;
	[tilespmem:$0x1CC00] =	vst v63  }
0x2b: {  	_ =	swait.ge [sflag:s10], $0x800  }
0x2c: {  	s8 =	rddreg [dreg:$0x5];
	[sflag:s10] =	ssyncset.done $0x0  }
0x2d: {  	[sflag:s10] =	ssyncadd.s32 $0xFFFFF800;
	s6 =	sadd.s32 $0x0, s8  }
0x2e: {  	[tilespmem:s11], [sflag:$0x3] =	stream.linear.gather [hbm4b:s6+s3], $0x800, $0x38;
	[tilespmem:$0x1CC00] =	vst v63  }
0x2f: {  	_ =	swait.ge [sflag:s10], $0x800  }
0x30: {  	[sflag:s10] =	ssyncset.done $0x0  }
0x31: {  	[sflag:s10] =	ssyncadd.s32 $0xFFFFF800  }
0x32: {  	[tilespmem:s13], [sflag:$0x1] =	stream.indirect.gather [hbm4b:s4+s12], $0x80, s3, s12, $0xb8;
	[tilespmem:$0x1CC00] =	vst v63  }
0x33: {  	s9 =	rddreg [dreg:$0x6]  }
0x34: {  	[tilespmem:s14], [sflag:$0x2] =	stream.indirect.gather [hbm4b:s4+s12], $0x80, s9, s12, $0xb8;
	[tilespmem:$0x1CC00] =	vst v63  }
0x35: {  	_ =	swait.ge [sflag:s15], $0x3E80  }
0x36: {  	[sflag:s15] =	ssyncset.done $0x0  }
0x37: {  	[sflag:s15] =	ssyncadd.s32 $0xFFFFC180  }
0x38: {  	[spmem:s2] =	stream.indirect.scatter.add.f32 [tilespmem:s13], [sflag:$0x3], $0x80, s11, s12, $0xb8;
	[tilespmem:$0x1CC00] =	vst v63  }
0x39: {  	_ =	swait.ge [sflag:s10], $0x3E80  }
0x3a: {  	[sflag:s10] =	ssyncset.done $0x0  }
0x3b: {  	s7 =	rddreg [dreg:$0x7];
	[sflag:s10] =	ssyncadd.s32 $0xFFFFC180  }
0x3c: {  	[tilespmem:s13], [sflag:$0x1] =	stream.indirect.gather [hbm4b:s4+s12], $0x80, s7, s12, $0xb8;
	[tilespmem:$0x1CC00] =	vst v63  }
0x3d: {  	_ =	swait.ge [sflag:s16], $0x3E80  }
0x3e: {  	[sflag:s16] =	ssyncset.done $0x0  }
0x3f: {  	s8 =	rddreg [dreg:$0x8];
	[sflag:s16] =	ssyncadd.s32 $0xFFFFC180  }
0x40: {  	[spmem:s2] =	stream.indirect.scatter.add.f32 [tilespmem:s14], [sflag:$0x3], $0x80, s8, s12, $0xb8;
	[tilespmem:$0x1CC00] =	vst v63  }
0x41: {  	_ =	swait.ge [sflag:s10], $0x3E80  }
0x42: {  	[sflag:s10] =	ssyncset.done $0x0  }
0x43: {  	s9 =	rddreg [dreg:$0x9];
	[sflag:s10] =	ssyncadd.s32 $0xFFFFC180  }
0x44: {  	[tilespmem:s14], [sflag:$0x2] =	stream.indirect.gather [hbm4b:s4+s12], $0x80, s9, s12, $0xb8;
	[tilespmem:$0x1CC00] =	vst v63  }
0x45: {  	_ =	swait.ge [sflag:s15], $0x3E80  }
0x46: {  	[sflag:s15] =	ssyncset.done $0x0  }
0x47: {  	s7 =	rddreg [dreg:$0xa];
	[sflag:s15] =	ssyncadd.s32 $0xFFFFC180  }
0x48: {  	[spmem:s2] =	stream.indirect.scatter.add.f32 [tilespmem:s13], [sflag:$0x3], $0x80, s7, s12, $0xb8;
	[tilespmem:$0x1CC00] =	vst v63  }
0x49: {  	_ =	swait.ge [sflag:s10], $0x3E80  }
0x4a: {  	[sflag:s10] =	ssyncset.done $0x0  }
0x4b: {  	s8 =	rddreg [dreg:$0xb];
	[sflag:s10] =	ssyncadd.s32 $0xFFFFC180  }
0x4c: {  	[tilespmem:s13], [sflag:$0x1] =	stream.indirect.gather [hbm4b:s4+s12], $0x80, s8, s12, $0xb8;
	[tilespmem:$0x1CC00] =	vst v63  }
0x4d: {  	_ =	swait.ge [sflag:s16], $0x3E80  }
0x4e: {  	[sflag:s16] =	ssyncset.done $0x0  }
0x4f: {  	s9 =	rddreg [dreg:$0xc];
	[sflag:s16] =	ssyncadd.s32 $0xFFFFC180  }
0x50: {  	[spmem:s2] =	stream.indirect.scatter.add.f32 [tilespmem:s14], [sflag:$0x3], $0x80, s9, s12, $0xb8;
	[tilespmem:$0x1CC00] =	vst v63  }
0x51: {  	_ =	swait.ge [sflag:s10], $0x3E80  }
0x52: {  	[sflag:s10] =	ssyncset.done $0x0  }
0x53: {  	s7 =	rddreg [dreg:$0xd];
	[sflag:s10] =	ssyncadd.s32 $0xFFFFC180  }
0x54: {  	[tilespmem:s14], [sflag:$0x2] =	stream.indirect.gather [hbm4b:s4+s12], $0x80, s7, s12, $0xb8;
	[tilespmem:$0x1CC00] =	vst v63  }
0x55: {  	_ =	swait.ge [sflag:s15], $0x3E80  }
0x56: {  	[sflag:s15] =	ssyncset.done $0x0  }
0x57: {  	s8 =	rddreg [dreg:$0xe];
	[sflag:s15] =	ssyncadd.s32 $0xFFFFC180  }
0x58: {  	[spmem:s2] =	stream.indirect.scatter.add.f32 [tilespmem:s13], [sflag:$0x3], $0x80, s8, s12, $0xb8;
	[tilespmem:$0x1CC00] =	vst v63  }
0x59: {  	_ =	swait.ge [sflag:s10], $0x3E80  }
0x5a: {  	[sflag:s10] =	ssyncset.done $0x0  }
0x5b: {  	s9 =	rddreg [dreg:$0xf];
	[sflag:s10] =	ssyncadd.s32 $0xFFFFC180  }
0x5c: {  	[tilespmem:s13], [sflag:$0x1] =	stream.indirect.gather [hbm4b:s4+s12], $0x80, s9, s12, $0xb8;
	[tilespmem:$0x1CC00] =	vst v63  }
0x5d: {  	_ =	swait.ge [sflag:s16], $0x3E80  }
0x5e: {  	[sflag:s16] =	ssyncset.done $0x0  }
0x5f: {  	s7 =	rddreg [dreg:$0x10];
	[sflag:s16] =	ssyncadd.s32 $0xFFFFC180  }
0x60: {  	[spmem:s2] =	stream.indirect.scatter.add.f32 [tilespmem:s14], [sflag:$0x3], $0x80, s7, s12, $0xb8;
	[tilespmem:$0x1CC00] =	vst v63  }
0x61: {  	_ =	swait.ge [sflag:s10], $0x3E80  }
0x62: {  	[sflag:s10] =	ssyncset.done $0x0  }
0x63: {  	s8 =	rddreg [dreg:$0x11];
	[sflag:s10] =	ssyncadd.s32 $0xFFFFC180  }
0x64: {  	[tilespmem:s14], [sflag:$0x2] =	stream.indirect.gather [hbm4b:s4+s12], $0x80, s8, s12, $0xb8;
	[tilespmem:$0x1CC00] =	vst v63  }
0x65: {  	_ =	swait.ge [sflag:s15], $0x3E80  }
0x66: {  	[sflag:s15] =	ssyncset.done $0x0  }
0x67: {  	s9 =	rddreg [dreg:$0x12];
	[sflag:s15] =	ssyncadd.s32 $0xFFFFC180  }
0x68: {  	[spmem:s2] =	stream.indirect.scatter.add.f32 [tilespmem:s13], [sflag:$0x3], $0x80, s9, s12, $0xb8;
	[tilespmem:$0x1CC00] =	vst v63  }
0x69: {  	_ =	swait.ge [sflag:s10], $0x3E80  }
0x6a: {  	[sflag:s10] =	ssyncset.done $0x0  }
0x6b: {  	[sflag:s10] =	ssyncadd.s32 $0xFFFFC180  }
0x6c: {  	[tilespmem:s13], [sflag:$0x1] =	stream.indirect.gather [hbm4b:s4+s12], $0x80, s17, s12, $0xb8;
	[tilespmem:$0x1CC00] =	vst v63  }
0x6d: {  	_ =	swait.ge [sflag:s16], $0x3E80  }
0x6e: {  	[sflag:s16] =	ssyncset.done $0x0  }
0x6f: {  	[sflag:s16] =	ssyncadd.s32 $0xFFFFC180  }
0x70: {  	[spmem:s2] =	stream.indirect.scatter.add.f32 [tilespmem:s14], [sflag:$0x3], $0x80, s18, s12, $0xb8;
	[tilespmem:$0x1CC00] =	vst v63  }
0x71: {  	_ =	swait.ge [sflag:s10], $0x3E80  }
0x72: {  	[sflag:s10] =	ssyncset.done $0x0  }
0x73: {  	[sflag:s10] =	ssyncadd.s32 $0xFFFFC180  }
0x74: {  	[tilespmem:s14], [sflag:$0x2] =	stream.indirect.gather [hbm4b:s4+s12], $0x80, s19, s12, $0xb8;
	[tilespmem:$0x1CC00] =	vst v63  }
0x75: {  	_ =	swait.ge [sflag:s15], $0x3E80  }
0x76: {  	[sflag:s15] =	ssyncset.done $0x0  }
0x77: {  	[sflag:s15] =	ssyncadd.s32 $0xFFFFC180  }
0x78: {  	[spmem:s2] =	stream.indirect.scatter.add.f32 [tilespmem:s13], [sflag:$0x3], $0x80, s20, s12, $0xb8;
	[tilespmem:$0x1CC00] =	vst v63  }
0x79: {  	_ =	swait.ge [sflag:s10], $0x3E80  }
0x7a: {  	[sflag:s10] =	ssyncset.done $0x0  }
0x7b: {  	[sflag:s10] =	ssyncadd.s32 $0xFFFFC180  }
0x7c: {  	[tilespmem:s13], [sflag:$0x1] =	stream.indirect.gather [hbm4b:s4+s12], $0x80, s21, s12, $0xb8;
	[tilespmem:$0x1CC00] =	vst v63  }
0x7d: {  	_ =	swait.ge [sflag:s16], $0x3E80  }
0x7e: {  	[sflag:s16] =	ssyncset.done $0x0  }
0x7f: {  	[sflag:s16] =	ssyncadd.s32 $0xFFFFC180  }
0x80: {  	[spmem:s2] =	stream.indirect.scatter.add.f32 [tilespmem:s14], [sflag:$0x3], $0x80, s22, s12, $0xb8;
	[tilespmem:$0x1CC00] =	vst v63  }
0x81: {  	_ =	swait.ge [sflag:s10], $0x3E80  }
0x82: {  	[sflag:s10] =	ssyncset.done $0x0  }
0x83: {  	[sflag:s10] =	ssyncadd.s32 $0xFFFFC180  }
0x84: {  	[tilespmem:s14], [sflag:$0x2] =	stream.indirect.gather [hbm4b:s4+s12], $0x80, s23, s12, $0xb8;
	[tilespmem:$0x1CC00] =	vst v63  }
0x85: {  	_ =	swait.ge [sflag:s15], $0x3E80  }
0x86: {  	[sflag:s15] =	ssyncset.done $0x0  }
0x87: {  	[sflag:s15] =	ssyncadd.s32 $0xFFFFC180  }
0x88: {  	[spmem:s2] =	stream.indirect.scatter.add.f32 [tilespmem:s13], [sflag:$0x3], $0x80, s24, s12, $0xb8;
	[tilespmem:$0x1CC00] =	vst v63  }
0x89: {  	_ =	swait.ge [sflag:s10], $0x3E80  }
0x8a: {  	[sflag:s10] =	ssyncset.done $0x0  }
0x8b: {  	[sflag:s10] =	ssyncadd.s32 $0xFFFFC180  }
0x8c: {  	[tilespmem:s13], [sflag:$0x1] =	stream.indirect.gather [hbm4b:s4+s12], $0x80, s25, s12, $0xb8;
	[tilespmem:$0x1CC00] =	vst v63  }
0x8d: {  	_ =	swait.ge [sflag:s16], $0x3E80  }
0x8e: {  	[sflag:s16] =	ssyncset.done $0x0  }
0x8f: {  	[sflag:s16] =	ssyncadd.s32 $0xFFFFC180  }
0x90: {  	[spmem:s2] =	stream.indirect.scatter.add.f32 [tilespmem:s14], [sflag:$0x3], $0x80, s26, s12, $0xb8;
	[tilespmem:$0x1CC00] =	vst v63  }
0x91: {  	_ =	swait.ge [sflag:s10], $0x3E80  }
0x92: {  	[sflag:s10] =	ssyncset.done $0x0  }
0x93: {  	[sflag:s10] =	ssyncadd.s32 $0xFFFFC180  }
0x94: {  	[tilespmem:s14], [sflag:$0x2] =	stream.indirect.gather [hbm4b:s4+s12], $0x80, s28, s12, $0xb8;
	[tilespmem:$0x1CC00] =	vst v63  }
0x95: {  	_ =	swait.ge [sflag:s15], $0x3E80  }
0x96: {  	[sflag:s15] =	ssyncset.done $0x0  }
0x97: {  	[sflag:s15] =	ssyncadd.s32 $0xFFFFC180  }
0x98: {  	[spmem:s2] =	stream.indirect.scatter.add.f32 [tilespmem:s13], [sflag:$0x3], $0x80, s29, s12, $0xb8;
	[tilespmem:$0x1CC00] =	vst v63  }
0x99: {  	_ =	swait.ge [sflag:s10], $0x3E80  }
0x9a: {  	[sflag:s10] =	ssyncset.done $0x0  }
0x9b: {  	[sflag:s10] =	ssyncadd.s32 $0xFFFFC180  }
0x9c: {  	[tilespmem:s13], [sflag:$0x1] =	stream.indirect.gather [hbm4b:s4+s12], $0x80, s30, s12, $0xb8;
	[tilespmem:$0x1CC00] =	vst v63  }
0x9d: {  	_ =	swait.ge [sflag:s16], $0x3E80  }
0x9e: {  	[sflag:s16] =	ssyncset.done $0x0  }
0x9f: {  	[sflag:s16] =	ssyncadd.s32 $0xFFFFC180  }
0xa0: {  	[spmem:s2] =	stream.indirect.scatter.add.f32 [tilespmem:s14], [sflag:$0x3], $0x80, s31, s12, $0xb8;
	[tilespmem:$0x1CC00] =	vst v63  }
0xa1: {  	_ =	swait.ge [sflag:s10], $0x3E80  }
0xa2: {  	[sflag:s10] =	ssyncset.done $0x0  }
0xa3: {  	[sflag:s10] =	ssyncadd.s32 $0xFFFFC180  }
0xa4: {  	[tilespmem:s14], [sflag:$0x2] =	stream.indirect.gather [hbm4b:s4+s12], $0x80, s1, s12, $0xb8;
	[tilespmem:$0x1CC00] =	vst v63  }
0xa5: {  	_ =	swait.ge [sflag:s15], $0x3E80  }
0xa6: {  	[sflag:s15] =	ssyncset.done $0x0  }
0xa7: {  	[sflag:s15] =	ssyncadd.s32 $0xFFFFC180  }
0xa8: {  	[spmem:s2] =	stream.indirect.scatter.add.f32 [tilespmem:s13], [sflag:$0x3], $0x80, s0, s12, $0xb8;
	[tilespmem:$0x1CC00] =	vst v63  }
0xa9: {  	_ =	swait.ge [sflag:s10], $0x3E80  }
0xaa: {  	[sflag:s10] =	ssyncset.done $0x0  }
0xab: {  	[sflag:s10] =	ssyncadd.s32 $0xFFFFC180  }
0xac: {  	_ =	swait.ge [sflag:s16], $0x3E80  }
0xad: {  	[sflag:s16] =	ssyncset.done $0x0  }
0xae: {  	[sflag:s16] =	ssyncadd.s32 $0xFFFFC180  }
0xaf: {  	[spmem:s2] =	stream.indirect.scatter.add.f32 [tilespmem:s14], [sflag:$0x3], $0x80, s5, s12, $0xb8;
	[tilespmem:$0x1CC00] =	vst v63  }
0xb0: {  	s6 =	simm.s32 $0x200;
	_ =	swait.ge [sflag:s10], $0x3E80  }
0xb1: {  	s8 =	simm.s32 $0x100;
	s9 =	rddreg [dreg:$0x4];
	[sflag:s10] =	ssyncset.done $0x0  }
.LBB2_2:
0xb2: {  	[sflag:s10] =	ssyncadd.s32 $0xFFFFC180;
	s9 =	sadd.s32 s8, s9  }
0xb3: {  	[tilespmem:s3], [sflag:$0x3] =	stream.linear.gather [hbm4b:s9+s3], $0x800, $0x38;
	[tilespmem:$0x1CC00] =	vst v63  }
0xb4: {  	_ =	swait.ge [sflag:s10], $0x800  }
0xb5: {  	s9 =	rddreg [dreg:$0x5];
	[sflag:s10] =	ssyncset.done $0x0  }
0xb6: {  	[sflag:s10] =	ssyncadd.s32 $0xFFFFF800;
	s9 =	sadd.s32 s8, s9  }
0xb7: {  	[tilespmem:s11], [sflag:$0x3] =	stream.linear.gather [hbm4b:s9+s3], $0x800, $0x38;
	[tilespmem:$0x1CC00] =	vst v63  }
0xb8: {  	_ =	swait.ge [sflag:s10], $0x800  }
0xb9: {  	[sflag:s10] =	ssyncset.done $0x0  }
0xba: {  	[sflag:s10] =	ssyncadd.s32 $0xFFFFF800  }
0xbb: {  	[tilespmem:s13], [sflag:$0x1] =	stream.indirect.gather [hbm4b:s4+s12], $0x80, s3, s12, $0xb8;
	[tilespmem:$0x1CC00] =	vst v63  }
0xbc: {  	s9 =	rddreg [dreg:$0x6]  }
0xbd: {  	[tilespmem:s14], [sflag:$0x2] =	stream.indirect.gather [hbm4b:s4+s12], $0x80, s9, s12, $0xb8;
	[tilespmem:$0x1CC00] =	vst v63  }
0xbe: {  	_ =	swait.ge [sflag:s15], $0x3E80  }
0xbf: {  	[sflag:s15] =	ssyncset.done $0x0  }
0xc0: {  	[sflag:s15] =	ssyncadd.s32 $0xFFFFC180  }
0xc1: {  	[spmem:s2] =	stream.indirect.scatter.add.f32 [tilespmem:s13], [sflag:$0x3], $0x80, s11, s12, $0xb8;
	[tilespmem:$0x1CC00] =	vst v63  }
0xc2: {  	_ =	swait.ge [sflag:s10], $0x3E80  }
0xc3: {  	[sflag:s10] =	ssyncset.done $0x0  }
0xc4: {  	s9 =	rddreg [dreg:$0x7];
	[sflag:s10] =	ssyncadd.s32 $0xFFFFC180  }
0xc5: {  	[tilespmem:s13], [sflag:$0x1] =	stream.indirect.gather [hbm4b:s4+s12], $0x80, s9, s12, $0xb8;
	[tilespmem:$0x1CC00] =	vst v63  }
0xc6: {  	_ =	swait.ge [sflag:s16], $0x3E80  }
0xc7: {  	[sflag:s16] =	ssyncset.done $0x0  }
0xc8: {  	s9 =	rddreg [dreg:$0x8];
	[sflag:s16] =	ssyncadd.s32 $0xFFFFC180  }
0xc9: {  	[spmem:s2] =	stream.indirect.scatter.add.f32 [tilespmem:s14], [sflag:$0x3], $0x80, s9, s12, $0xb8;
	[tilespmem:$0x1CC00] =	vst v63  }
0xca: {  	_ =	swait.ge [sflag:s10], $0x3E80  }
0xcb: {  	[sflag:s10] =	ssyncset.done $0x0  }
0xcc: {  	s9 =	rddreg [dreg:$0x9];
	[sflag:s10] =	ssyncadd.s32 $0xFFFFC180  }
0xcd: {  	[tilespmem:s14], [sflag:$0x2] =	stream.indirect.gather [hbm4b:s4+s12], $0x80, s9, s12, $0xb8;
	[tilespmem:$0x1CC00] =	vst v63  }
0xce: {  	_ =	swait.ge [sflag:s15], $0x3E80  }
0xcf: {  	[sflag:s15] =	ssyncset.done $0x0  }
0xd0: {  	s9 =	rddreg [dreg:$0xa];
	[sflag:s15] =	ssyncadd.s32 $0xFFFFC180  }
0xd1: {  	[spmem:s2] =	stream.indirect.scatter.add.f32 [tilespmem:s13], [sflag:$0x3], $0x80, s9, s12, $0xb8;
	[tilespmem:$0x1CC00] =	vst v63  }
0xd2: {  	_ =	swait.ge [sflag:s10], $0x3E80  }
0xd3: {  	[sflag:s10] =	ssyncset.done $0x0  }
0xd4: {  	s9 =	rddreg [dreg:$0xb];
	[sflag:s10] =	ssyncadd.s32 $0xFFFFC180  }
0xd5: {  	[tilespmem:s13], [sflag:$0x1] =	stream.indirect.gather [hbm4b:s4+s12], $0x80, s9, s12, $0xb8;
	[tilespmem:$0x1CC00] =	vst v63  }
0xd6: {  	_ =	swait.ge [sflag:s16], $0x3E80  }
0xd7: {  	[sflag:s16] =	ssyncset.done $0x0  }
0xd8: {  	s9 =	rddreg [dreg:$0xc];
	[sflag:s16] =	ssyncadd.s32 $0xFFFFC180  }
0xd9: {  	[spmem:s2] =	stream.indirect.scatter.add.f32 [tilespmem:s14], [sflag:$0x3], $0x80, s9, s12, $0xb8;
	[tilespmem:$0x1CC00] =	vst v63  }
0xda: {  	_ =	swait.ge [sflag:s10], $0x3E80  }
0xdb: {  	[sflag:s10] =	ssyncset.done $0x0  }
0xdc: {  	s9 =	rddreg [dreg:$0xd];
	[sflag:s10] =	ssyncadd.s32 $0xFFFFC180  }
0xdd: {  	[tilespmem:s14], [sflag:$0x2] =	stream.indirect.gather [hbm4b:s4+s12], $0x80, s9, s12, $0xb8;
	[tilespmem:$0x1CC00] =	vst v63  }
0xde: {  	_ =	swait.ge [sflag:s15], $0x3E80  }
0xdf: {  	[sflag:s15] =	ssyncset.done $0x0  }
0xe0: {  	s9 =	rddreg [dreg:$0xe];
	[sflag:s15] =	ssyncadd.s32 $0xFFFFC180  }
0xe1: {  	[spmem:s2] =	stream.indirect.scatter.add.f32 [tilespmem:s13], [sflag:$0x3], $0x80, s9, s12, $0xb8;
	[tilespmem:$0x1CC00] =	vst v63  }
0xe2: {  	_ =	swait.ge [sflag:s10], $0x3E80  }
0xe3: {  	[sflag:s10] =	ssyncset.done $0x0  }
0xe4: {  	s9 =	rddreg [dreg:$0xf];
	[sflag:s10] =	ssyncadd.s32 $0xFFFFC180  }
0xe5: {  	[tilespmem:s13], [sflag:$0x1] =	stream.indirect.gather [hbm4b:s4+s12], $0x80, s9, s12, $0xb8;
	[tilespmem:$0x1CC00] =	vst v63  }
0xe6: {  	_ =	swait.ge [sflag:s16], $0x3E80  }
0xe7: {  	[sflag:s16] =	ssyncset.done $0x0  }
0xe8: {  	s9 =	rddreg [dreg:$0x10];
	[sflag:s16] =	ssyncadd.s32 $0xFFFFC180  }
0xe9: {  	[spmem:s2] =	stream.indirect.scatter.add.f32 [tilespmem:s14], [sflag:$0x3], $0x80, s9, s12, $0xb8;
	[tilespmem:$0x1CC00] =	vst v63  }
0xea: {  	_ =	swait.ge [sflag:s10], $0x3E80  }
0xeb: {  	[sflag:s10] =	ssyncset.done $0x0  }
0xec: {  	s9 =	rddreg [dreg:$0x11];
	[sflag:s10] =	ssyncadd.s32 $0xFFFFC180  }
0xed: {  	[tilespmem:s14], [sflag:$0x2] =	stream.indirect.gather [hbm4b:s4+s12], $0x80, s9, s12, $0xb8;
	[tilespmem:$0x1CC00] =	vst v63  }
0xee: {  	_ =	swait.ge [sflag:s15], $0x3E80  }
0xef: {  	[sflag:s15] =	ssyncset.done $0x0  }
0xf0: {  	s9 =	rddreg [dreg:$0x12];
	[sflag:s15] =	ssyncadd.s32 $0xFFFFC180  }
0xf1: {  	[spmem:s2] =	stream.indirect.scatter.add.f32 [tilespmem:s13], [sflag:$0x3], $0x80, s9, s12, $0xb8;
	[tilespmem:$0x1CC00] =	vst v63  }
0xf2: {  	_ =	swait.ge [sflag:s10], $0x3E80  }
0xf3: {  	[sflag:s10] =	ssyncset.done $0x0  }
0xf4: {  	[sflag:s10] =	ssyncadd.s32 $0xFFFFC180  }
0xf5: {  	[tilespmem:s13], [sflag:$0x1] =	stream.indirect.gather [hbm4b:s4+s12], $0x80, s17, s12, $0xb8;
	[tilespmem:$0x1CC00] =	vst v63  }
0xf6: {  	_ =	swait.ge [sflag:s16], $0x3E80  }
0xf7: {  	[sflag:s16] =	ssyncset.done $0x0  }
0xf8: {  	[sflag:s16] =	ssyncadd.s32 $0xFFFFC180  }
0xf9: {  	[spmem:s2] =	stream.indirect.scatter.add.f32 [tilespmem:s14], [sflag:$0x3], $0x80, s18, s12, $0xb8;
	[tilespmem:$0x1CC00] =	vst v63  }
0xfa: {  	_ =	swait.ge [sflag:s10], $0x3E80  }
0xfb: {  	[sflag:s10] =	ssyncset.done $0x0  }
0xfc: {  	[sflag:s10] =	ssyncadd.s32 $0xFFFFC180  }
0xfd: {  	[tilespmem:s14], [sflag:$0x2] =	stream.indirect.gather [hbm4b:s4+s12], $0x80, s19, s12, $0xb8;
	[tilespmem:$0x1CC00] =	vst v63  }
0xfe: {  	_ =	swait.ge [sflag:s15], $0x3E80  }
0xff: {  	[sflag:s15] =	ssyncset.done $0x0  }
0x100: {  	[sflag:s15] =	ssyncadd.s32 $0xFFFFC180  }
0x101: {  	[spmem:s2] =	stream.indirect.scatter.add.f32 [tilespmem:s13], [sflag:$0x3], $0x80, s20, s12, $0xb8;
	[tilespmem:$0x1CC00] =	vst v63  }
0x102: {  	_ =	swait.ge [sflag:s10], $0x3E80  }
0x103: {  	[sflag:s10] =	ssyncset.done $0x0  }
0x104: {  	[sflag:s10] =	ssyncadd.s32 $0xFFFFC180  }
0x105: {  	[tilespmem:s13], [sflag:$0x1] =	stream.indirect.gather [hbm4b:s4+s12], $0x80, s21, s12, $0xb8;
	[tilespmem:$0x1CC00] =	vst v63  }
0x106: {  	_ =	swait.ge [sflag:s16], $0x3E80  }
0x107: {  	[sflag:s16] =	ssyncset.done $0x0  }
0x108: {  	[sflag:s16] =	ssyncadd.s32 $0xFFFFC180  }
0x109: {  	[spmem:s2] =	stream.indirect.scatter.add.f32 [tilespmem:s14], [sflag:$0x3], $0x80, s22, s12, $0xb8;
	[tilespmem:$0x1CC00] =	vst v63  }
0x10a: {  	_ =	swait.ge [sflag:s10], $0x3E80  }
0x10b: {  	[sflag:s10] =	ssyncset.done $0x0  }
0x10c: {  	[sflag:s10] =	ssyncadd.s32 $0xFFFFC180  }
0x10d: {  	[tilespmem:s14], [sflag:$0x2] =	stream.indirect.gather [hbm4b:s4+s12], $0x80, s23, s12, $0xb8;
	[tilespmem:$0x1CC00] =	vst v63  }
0x10e: {  	_ =	swait.ge [sflag:s15], $0x3E80  }
0x10f: {  	[sflag:s15] =	ssyncset.done $0x0  }
0x110: {  	[sflag:s15] =	ssyncadd.s32 $0xFFFFC180  }
0x111: {  	[spmem:s2] =	stream.indirect.scatter.add.f32 [tilespmem:s13], [sflag:$0x3], $0x80, s24, s12, $0xb8;
	[tilespmem:$0x1CC00] =	vst v63  }
0x112: {  	_ =	swait.ge [sflag:s10], $0x3E80  }
0x113: {  	[sflag:s10] =	ssyncset.done $0x0  }
0x114: {  	[sflag:s10] =	ssyncadd.s32 $0xFFFFC180  }
0x115: {  	[tilespmem:s13], [sflag:$0x1] =	stream.indirect.gather [hbm4b:s4+s12], $0x80, s25, s12, $0xb8;
	[tilespmem:$0x1CC00] =	vst v63  }
0x116: {  	_ =	swait.ge [sflag:s16], $0x3E80  }
0x117: {  	[sflag:s16] =	ssyncset.done $0x0  }
0x118: {  	[sflag:s16] =	ssyncadd.s32 $0xFFFFC180  }
0x119: {  	[spmem:s2] =	stream.indirect.scatter.add.f32 [tilespmem:s14], [sflag:$0x3], $0x80, s26, s12, $0xb8;
	[tilespmem:$0x1CC00] =	vst v63  }
0x11a: {  	_ =	swait.ge [sflag:s10], $0x3E80  }
0x11b: {  	[sflag:s10] =	ssyncset.done $0x0  }
0x11c: {  	[sflag:s10] =	ssyncadd.s32 $0xFFFFC180  }
0x11d: {  	[tilespmem:s14], [sflag:$0x2] =	stream.indirect.gather [hbm4b:s4+s12], $0x80, s28, s12, $0xb8;
	[tilespmem:$0x1CC00] =	vst v63  }
0x11e: {  	_ =	swait.ge [sflag:s15], $0x3E80  }
0x11f: {  	[sflag:s15] =	ssyncset.done $0x0  }
0x120: {  	[sflag:s15] =	ssyncadd.s32 $0xFFFFC180  }
0x121: {  	[spmem:s2] =	stream.indirect.scatter.add.f32 [tilespmem:s13], [sflag:$0x3], $0x80, s29, s12, $0xb8;
	[tilespmem:$0x1CC00] =	vst v63  }
0x122: {  	_ =	swait.ge [sflag:s10], $0x3E80  }
0x123: {  	[sflag:s10] =	ssyncset.done $0x0  }
0x124: {  	[sflag:s10] =	ssyncadd.s32 $0xFFFFC180  }
0x125: {  	[tilespmem:s13], [sflag:$0x1] =	stream.indirect.gather [hbm4b:s4+s12], $0x80, s30, s12, $0xb8;
	[tilespmem:$0x1CC00] =	vst v63  }
0x126: {  	_ =	swait.ge [sflag:s16], $0x3E80  }
0x127: {  	[sflag:s16] =	ssyncset.done $0x0  }
0x128: {  	[sflag:s16] =	ssyncadd.s32 $0xFFFFC180  }
0x129: {  	[spmem:s2] =	stream.indirect.scatter.add.f32 [tilespmem:s14], [sflag:$0x3], $0x80, s31, s12, $0xb8;
	[tilespmem:$0x1CC00] =	vst v63  }
0x12a: {  	_ =	swait.ge [sflag:s10], $0x3E80  }
0x12b: {  	[sflag:s10] =	ssyncset.done $0x0  }
0x12c: {  	[sflag:s10] =	ssyncadd.s32 $0xFFFFC180  }
0x12d: {  	[tilespmem:s14], [sflag:$0x2] =	stream.indirect.gather [hbm4b:s4+s12], $0x80, s1, s12, $0xb8;
	[tilespmem:$0x1CC00] =	vst v63  }
0x12e: {  	_ =	swait.ge [sflag:s15], $0x3E80  }
0x12f: {  	[sflag:s15] =	ssyncset.done $0x0  }
0x130: {  	[sflag:s15] =	ssyncadd.s32 $0xFFFFC180  }
0x131: {  	[spmem:s2] =	stream.indirect.scatter.add.f32 [tilespmem:s13], [sflag:$0x3], $0x80, s0, s12, $0xb8;
	[tilespmem:$0x1CC00] =	vst v63  }
0x132: {  	_ =	swait.ge [sflag:s10], $0x3E80  }
0x133: {  	[sflag:s10] =	ssyncset.done $0x0  }
0x134: {  	[sflag:s10] =	ssyncadd.s32 $0xFFFFC180  }
0x135: {  	p0 =	sne.s32 s6, $0x400;
	_ =	swait.ge [sflag:s16], $0x3E80  }
.Ltmp0:
0x136: {  	[sflag:s16] =	ssyncset.done $0x0;
	(pc) =	sbr.rel @p0 .LBB2_2-.Ltmp0, $4  }
0x137: {  	[sflag:s16] =	ssyncadd.s32 $0xFFFFC180  }
0x138: {  	[spmem:s2] =	stream.indirect.scatter.add.f32 [tilespmem:s14], [sflag:$0x3], $0x80, s5, s12, $0xb8;
	[tilespmem:$0x1CC00] =	vst v63  }
0x139: {  	s7 =	smov.u32 s6;
	s6 =	sadd.s32 $0x100, s6;
	_ =	swait.ge [sflag:s10], $0x3E80  }
0x13a: {  	s8 =	smov.u32 s7;
	s9 =	rddreg [dreg:$0x4];
	[sflag:s10] =	ssyncset.done $0x0  }
0x13b: {  	[sflag:s10] =	ssyncadd.s32 $0xFFFFC180;
	s6 =	sadd.s32 s8, s9  }
0x13c: {  	[tilespmem:s3], [sflag:$0x3] =	stream.linear.gather [hbm4b:s6+s3], $0x800, $0x38;
	[tilespmem:$0x1CC00] =	vst v63  }
0x13d: {  	_ =	swait.ge [sflag:s10], $0x800  }
0x13e: {  	s7 =	rddreg [dreg:$0x5];
	[sflag:s10] =	ssyncset.done $0x0  }
0x13f: {  	s6 =	sadd.s32 s8, s7;
	[sflag:s10] =	ssyncadd.s32 $0xFFFFF800  }
0x140: {  	[tilespmem:s11], [sflag:$0x3] =	stream.linear.gather [hbm4b:s6+s3], $0x800, $0x38;
	[tilespmem:$0x1CC00] =	vst v63  }
0x141: {  	_ =	swait.ge [sflag:s10], $0x800  }
0x142: {  	[sflag:s10] =	ssyncset.done $0x0  }
0x143: {  	[sflag:s10] =	ssyncadd.s32 $0xFFFFF800  }
0x144: {  	[tilespmem:s13], [sflag:$0x1] =	stream.indirect.gather [hbm4b:s4+s12], $0x80, s3, s12, $0xb8;
	[tilespmem:$0x1CC00] =	vst v63  }
0x145: {  	s8 =	rddreg [dreg:$0x6]  }
0x146: {  	[tilespmem:s14], [sflag:$0x2] =	stream.indirect.gather [hbm4b:s4+s12], $0x80, s8, s12, $0xb8;
	[tilespmem:$0x1CC00] =	vst v63  }
0x147: {  	_ =	swait.ge [sflag:s15], $0x3E80  }
0x148: {  	[sflag:s15] =	ssyncset.done $0x0  }
0x149: {  	[sflag:s15] =	ssyncadd.s32 $0xFFFFC180  }
0x14a: {  	[spmem:s2] =	stream.indirect.scatter.add.f32 [tilespmem:s13], [sflag:$0x3], $0x80, s11, s12, $0xb8;
	[tilespmem:$0x1CC00] =	vst v63  }
0x14b: {  	_ =	swait.ge [sflag:s10], $0x3E80  }
0x14c: {  	[sflag:s10] =	ssyncset.done $0x0  }
0x14d: {  	s9 =	rddreg [dreg:$0x7];
	[sflag:s10] =	ssyncadd.s32 $0xFFFFC180  }
0x14e: {  	[tilespmem:s13], [sflag:$0x1] =	stream.indirect.gather [hbm4b:s4+s12], $0x80, s9, s12, $0xb8;
	[tilespmem:$0x1CC00] =	vst v63  }
0x14f: {  	_ =	swait.ge [sflag:s16], $0x3E80  }
0x150: {  	[sflag:s16] =	ssyncset.done $0x0  }
0x151: {  	s7 =	rddreg [dreg:$0x8];
	[sflag:s16] =	ssyncadd.s32 $0xFFFFC180  }
0x152: {  	[spmem:s2] =	stream.indirect.scatter.add.f32 [tilespmem:s14], [sflag:$0x3], $0x80, s7, s12, $0xb8;
	[tilespmem:$0x1CC00] =	vst v63  }
0x153: {  	_ =	swait.ge [sflag:s10], $0x3E80  }
0x154: {  	[sflag:s10] =	ssyncset.done $0x0  }
0x155: {  	s8 =	rddreg [dreg:$0x9];
	[sflag:s10] =	ssyncadd.s32 $0xFFFFC180  }
0x156: {  	[tilespmem:s14], [sflag:$0x2] =	stream.indirect.gather [hbm4b:s4+s12], $0x80, s8, s12, $0xb8;
	[tilespmem:$0x1CC00] =	vst v63  }
0x157: {  	_ =	swait.ge [sflag:s15], $0x3E80  }
0x158: {  	[sflag:s15] =	ssyncset.done $0x0  }
0x159: {  	s9 =	rddreg [dreg:$0xa];
	[sflag:s15] =	ssyncadd.s32 $0xFFFFC180  }
0x15a: {  	[spmem:s2] =	stream.indirect.scatter.add.f32 [tilespmem:s13], [sflag:$0x3], $0x80, s9, s12, $0xb8;
	[tilespmem:$0x1CC00] =	vst v63  }
0x15b: {  	_ =	swait.ge [sflag:s10], $0x3E80  }
0x15c: {  	[sflag:s10] =	ssyncset.done $0x0  }
0x15d: {  	s7 =	rddreg [dreg:$0xb];
	[sflag:s10] =	ssyncadd.s32 $0xFFFFC180  }
0x15e: {  	[tilespmem:s13], [sflag:$0x1] =	stream.indirect.gather [hbm4b:s4+s12], $0x80, s7, s12, $0xb8;
	[tilespmem:$0x1CC00] =	vst v63  }
0x15f: {  	_ =	swait.ge [sflag:s16], $0x3E80  }
0x160: {  	[sflag:s16] =	ssyncset.done $0x0  }
0x161: {  	s8 =	rddreg [dreg:$0xc];
	[sflag:s16] =	ssyncadd.s32 $0xFFFFC180  }
0x162: {  	[spmem:s2] =	stream.indirect.scatter.add.f32 [tilespmem:s14], [sflag:$0x3], $0x80, s8, s12, $0xb8;
	[tilespmem:$0x1CC00] =	vst v63  }
0x163: {  	_ =	swait.ge [sflag:s10], $0x3E80  }
0x164: {  	[sflag:s10] =	ssyncset.done $0x0  }
0x165: {  	s9 =	rddreg [dreg:$0xd];
	[sflag:s10] =	ssyncadd.s32 $0xFFFFC180  }
0x166: {  	[tilespmem:s14], [sflag:$0x2] =	stream.indirect.gather [hbm4b:s4+s12], $0x80, s9, s12, $0xb8;
	[tilespmem:$0x1CC00] =	vst v63  }
0x167: {  	_ =	swait.ge [sflag:s15], $0x3E80  }
0x168: {  	[sflag:s15] =	ssyncset.done $0x0  }
0x169: {  	s7 =	rddreg [dreg:$0xe];
	[sflag:s15] =	ssyncadd.s32 $0xFFFFC180  }
0x16a: {  	[spmem:s2] =	stream.indirect.scatter.add.f32 [tilespmem:s13], [sflag:$0x3], $0x80, s7, s12, $0xb8;
	[tilespmem:$0x1CC00] =	vst v63  }
0x16b: {  	_ =	swait.ge [sflag:s10], $0x3E80  }
0x16c: {  	[sflag:s10] =	ssyncset.done $0x0  }
0x16d: {  	s8 =	rddreg [dreg:$0xf];
	[sflag:s10] =	ssyncadd.s32 $0xFFFFC180  }
0x16e: {  	[tilespmem:s13], [sflag:$0x1] =	stream.indirect.gather [hbm4b:s4+s12], $0x80, s8, s12, $0xb8;
	[tilespmem:$0x1CC00] =	vst v63  }
0x16f: {  	_ =	swait.ge [sflag:s16], $0x3E80  }
0x170: {  	[sflag:s16] =	ssyncset.done $0x0  }
0x171: {  	s9 =	rddreg [dreg:$0x10];
	[sflag:s16] =	ssyncadd.s32 $0xFFFFC180  }
0x172: {  	[spmem:s2] =	stream.indirect.scatter.add.f32 [tilespmem:s14], [sflag:$0x3], $0x80, s9, s12, $0xb8;
	[tilespmem:$0x1CC00] =	vst v63  }
0x173: {  	_ =	swait.ge [sflag:s10], $0x3E80  }
0x174: {  	[sflag:s10] =	ssyncset.done $0x0  }
0x175: {  	s7 =	rddreg [dreg:$0x11];
	[sflag:s10] =	ssyncadd.s32 $0xFFFFC180  }
0x176: {  	[tilespmem:s14], [sflag:$0x2] =	stream.indirect.gather [hbm4b:s4+s12], $0x80, s7, s12, $0xb8;
	[tilespmem:$0x1CC00] =	vst v63  }
0x177: {  	_ =	swait.ge [sflag:s15], $0x3E80  }
0x178: {  	[sflag:s15] =	ssyncset.done $0x0  }
0x179: {  	s8 =	rddreg [dreg:$0x12];
	[sflag:s15] =	ssyncadd.s32 $0xFFFFC180  }
0x17a: {  	[spmem:s2] =	stream.indirect.scatter.add.f32 [tilespmem:s13], [sflag:$0x3], $0x80, s8, s12, $0xb8;
	[tilespmem:$0x1CC00] =	vst v63  }
0x17b: {  	_ =	swait.ge [sflag:s10], $0x3E80  }
0x17c: {  	[sflag:s10] =	ssyncset.done $0x0  }
0x17d: {  	[sflag:s10] =	ssyncadd.s32 $0xFFFFC180  }
0x17e: {  	[tilespmem:s13], [sflag:$0x1] =	stream.indirect.gather [hbm4b:s4+s12], $0x80, s17, s12, $0xb8;
	[tilespmem:$0x1CC00] =	vst v63  }
0x17f: {  	_ =	swait.ge [sflag:s16], $0x3E80  }
0x180: {  	[sflag:s16] =	ssyncset.done $0x0  }
0x181: {  	[sflag:s16] =	ssyncadd.s32 $0xFFFFC180  }
0x182: {  	[spmem:s2] =	stream.indirect.scatter.add.f32 [tilespmem:s14], [sflag:$0x3], $0x80, s18, s12, $0xb8;
	[tilespmem:$0x1CC00] =	vst v63  }
0x183: {  	_ =	swait.ge [sflag:s10], $0x3E80  }
0x184: {  	[sflag:s10] =	ssyncset.done $0x0  }
0x185: {  	[sflag:s10] =	ssyncadd.s32 $0xFFFFC180  }
0x186: {  	[tilespmem:s14], [sflag:$0x2] =	stream.indirect.gather [hbm4b:s4+s12], $0x80, s19, s12, $0xb8;
	[tilespmem:$0x1CC00] =	vst v63  }
0x187: {  	_ =	swait.ge [sflag:s15], $0x3E80  }
0x188: {  	[sflag:s15] =	ssyncset.done $0x0  }
0x189: {  	[sflag:s15] =	ssyncadd.s32 $0xFFFFC180  }
0x18a: {  	[spmem:s2] =	stream.indirect.scatter.add.f32 [tilespmem:s13], [sflag:$0x3], $0x80, s20, s12, $0xb8;
	[tilespmem:$0x1CC00] =	vst v63  }
0x18b: {  	_ =	swait.ge [sflag:s10], $0x3E80  }
0x18c: {  	[sflag:s10] =	ssyncset.done $0x0  }
0x18d: {  	[sflag:s10] =	ssyncadd.s32 $0xFFFFC180  }
0x18e: {  	[tilespmem:s13], [sflag:$0x1] =	stream.indirect.gather [hbm4b:s4+s12], $0x80, s21, s12, $0xb8;
	[tilespmem:$0x1CC00] =	vst v63  }
0x18f: {  	_ =	swait.ge [sflag:s16], $0x3E80  }
0x190: {  	[sflag:s16] =	ssyncset.done $0x0  }
0x191: {  	[sflag:s16] =	ssyncadd.s32 $0xFFFFC180  }
0x192: {  	[spmem:s2] =	stream.indirect.scatter.add.f32 [tilespmem:s14], [sflag:$0x3], $0x80, s22, s12, $0xb8;
	[tilespmem:$0x1CC00] =	vst v63  }
0x193: {  	_ =	swait.ge [sflag:s10], $0x3E80  }
0x194: {  	[sflag:s10] =	ssyncset.done $0x0  }
0x195: {  	[sflag:s10] =	ssyncadd.s32 $0xFFFFC180  }
0x196: {  	[tilespmem:s14], [sflag:$0x2] =	stream.indirect.gather [hbm4b:s4+s12], $0x80, s23, s12, $0xb8;
	[tilespmem:$0x1CC00] =	vst v63  }
0x197: {  	_ =	swait.ge [sflag:s15], $0x3E80  }
0x198: {  	[sflag:s15] =	ssyncset.done $0x0  }
0x199: {  	[sflag:s15] =	ssyncadd.s32 $0xFFFFC180  }
0x19a: {  	[spmem:s2] =	stream.indirect.scatter.add.f32 [tilespmem:s13], [sflag:$0x3], $0x80, s24, s12, $0xb8;
	[tilespmem:$0x1CC00] =	vst v63  }
0x19b: {  	_ =	swait.ge [sflag:s10], $0x3E80  }
0x19c: {  	[sflag:s10] =	ssyncset.done $0x0  }
0x19d: {  	[sflag:s10] =	ssyncadd.s32 $0xFFFFC180  }
0x19e: {  	[tilespmem:s13], [sflag:$0x1] =	stream.indirect.gather [hbm4b:s4+s12], $0x80, s25, s12, $0xb8;
	[tilespmem:$0x1CC00] =	vst v63  }
0x19f: {  	_ =	swait.ge [sflag:s16], $0x3E80  }
0x1a0: {  	[sflag:s16] =	ssyncset.done $0x0  }
0x1a1: {  	[sflag:s16] =	ssyncadd.s32 $0xFFFFC180  }
0x1a2: {  	[spmem:s2] =	stream.indirect.scatter.add.f32 [tilespmem:s14], [sflag:$0x3], $0x80, s26, s12, $0xb8;
	[tilespmem:$0x1CC00] =	vst v63  }
0x1a3: {  	_ =	swait.ge [sflag:s10], $0x3E80  }
0x1a4: {  	[sflag:s10] =	ssyncset.done $0x0  }
0x1a5: {  	[sflag:s10] =	ssyncadd.s32 $0xFFFFC180  }
0x1a6: {  	[tilespmem:s14], [sflag:$0x2] =	stream.indirect.gather [hbm4b:s4+s12], $0x80, s28, s12, $0xb8;
	[tilespmem:$0x1CC00] =	vst v63  }
0x1a7: {  	_ =	swait.ge [sflag:s15], $0x3E80  }
0x1a8: {  	[sflag:s15] =	ssyncset.done $0x0  }
0x1a9: {  	[sflag:s15] =	ssyncadd.s32 $0xFFFFC180  }
0x1aa: {  	[spmem:s2] =	stream.indirect.scatter.add.f32 [tilespmem:s13], [sflag:$0x3], $0x80, s29, s12, $0xb8;
	[tilespmem:$0x1CC00] =	vst v63  }
0x1ab: {  	_ =	swait.ge [sflag:s10], $0x3E80  }
0x1ac: {  	[sflag:s10] =	ssyncset.done $0x0  }
0x1ad: {  	[sflag:s10] =	ssyncadd.s32 $0xFFFFC180  }
0x1ae: {  	[tilespmem:s13], [sflag:$0x1] =	stream.indirect.gather [hbm4b:s4+s12], $0x80, s30, s12, $0xb8;
	[tilespmem:$0x1CC00] =	vst v63  }
0x1af: {  	_ =	swait.ge [sflag:s16], $0x3E80  }
0x1b0: {  	[sflag:s16] =	ssyncset.done $0x0  }
0x1b1: {  	[sflag:s16] =	ssyncadd.s32 $0xFFFFC180  }
0x1b2: {  	[spmem:s2] =	stream.indirect.scatter.add.f32 [tilespmem:s14], [sflag:$0x3], $0x80, s31, s12, $0xb8;
	[tilespmem:$0x1CC00] =	vst v63  }
0x1b3: {  	_ =	swait.ge [sflag:s10], $0x3E80  }
0x1b4: {  	[sflag:s10] =	ssyncset.done $0x0  }
0x1b5: {  	[sflag:s10] =	ssyncadd.s32 $0xFFFFC180  }
0x1b6: {  	[tilespmem:s14], [sflag:$0x2] =	stream.indirect.gather [hbm4b:s4+s12], $0x80, s1, s12, $0xb8;
	[tilespmem:$0x1CC00] =	vst v63  }
0x1b7: {  	_ =	swait.ge [sflag:s15], $0x3E80  }
0x1b8: {  	[sflag:s15] =	ssyncset.done $0x0  }
0x1b9: {  	[sflag:s15] =	ssyncadd.s32 $0xFFFFC180  }
0x1ba: {  	[spmem:s2] =	stream.indirect.scatter.add.f32 [tilespmem:s13], [sflag:$0x3], $0x80, s0, s12, $0xb8;
	[tilespmem:$0x1CC00] =	vst v63  }
0x1bb: {  	_ =	swait.ge [sflag:s10], $0x3E80  }
0x1bc: {  	[sflag:s10] =	ssyncset.done $0x0  }
0x1bd: {  	[sflag:s10] =	ssyncadd.s32 $0xFFFFC180  }
0x1be: {  	_ =	swait.ge [sflag:s16], $0x3E80  }
0x1bf: {  	[sflag:s16] =	ssyncset.done $0x0  }
0x1c0: {  	[sflag:s16] =	ssyncadd.s32 $0xFFFFC180  }
0x1c1: {  	[spmem:s2] =	stream.indirect.scatter.add.f32 [tilespmem:s14], [sflag:$0x3], $0x80, s5, s12, $0xb8;
	[tilespmem:$0x1CC00] =	vst v63  }
0x1c2: {  	_ =	swait.ge [sflag:s10], $0x3E80  }
0x1c3: {  	[sflag:s10] =	ssyncset.done $0x0  }
0x1c4: {  	[sflag:s10] =	ssyncadd.s32 $0xFFFFC180  }
0x1c5: {  	[bflag:$0x0] =	sbarrier.arrive $0xFFFF  }
0x1c6: {  	s7 =	rddreg [dreg:$0x14]  }
0x1c7: {  	s9 =	rddreg [dreg:$0x15]  }
0x1c8: {  	s8 =	rddreg [dreg:$0x17]  }
0x1c9: {  	[hbm:s9], [sflag:s7] =	dma.local [spmem:s8], $0x2780  }
0x1ca: {  	_ =	swait.ge [sflag:s10], $0x2780  }
0x1cb: {  	s6 =	rddreg [dreg:$0x18]  }
0x1cc: {  	s9 =	sadd.s32 $0x1, s6;
	s6 =	rddreg [dreg:$0x16]  }
0x1cd: {  	p0 =	sne.s32 s9, s6  }
.Ltmp1:
0x1ce: {  	_ = 	snop;
	(pc) =	sbr.rel @p0 .LBB2_1-.Ltmp1, $3  }
0x1cf: {  	_ =	sdelay $0x1  }
0x1d0: {  	[sflag:s10] =	ssyncset.done $0x0  }
0x1d1: {  	[sflag:s10] =	ssyncadd.s32 $0xFFFFD880  }
0x1d2: {  	_ =	sfence.sel $0x180000  }
0x1d3: {  	[bflag:$0x0] =	sbarrier.arrive $0xFFFF  }
0x1d4: {  	_ =	strace $0x9000004A  }
0x1d5: {  	s0 =	stileid.u32;
	[bflag:$0x2] =	sbarrier.arrive $0xFFFF  }
0x1d6: {  	p0 =	sne.s32 s0, $0x0;
	s0 =	rddreg [dreg:$0x3]  }
0x1d7: {  	s0 =	sadd.s32 @!p0 $0x100000, s0  }
0x1d8: {  	[sflag:s0] =	ssyncadd.tile.s32 @!p0 $0x1;
	_ =	shalt  }
.Lfunc_end2:
_tile_overlayer_lowered:
.L_overlay_start_2:
0x1d9: {  	(tag) =	ssettag $0x2  }
0x1da: {  	s0 =	rddreg [dreg:$0x0];
	s2 =	stileid.u32  }
0x1db: {  	s1 =	rddreg [dreg:$0x1];
	p0 =	sne.s32 s2, $0x0  }
0x1dc: {  	s3 =	rddreg [dreg:$0x2];
	[bflag:$0x3] =	sbarrier.arrive $0xFFFF;
	s2 =	simm.s32 @!p0 $0x1C03  }
0x1dd: {  	[timem:s3], [sflag:s2] =	dma.local @!p0 [hbm:s0], s1  }
0x1de: {  	s0 =	simm.s32 @!p0 $0x3  }
0x1df: {  	_ =	swait.ge @!p0 [sflag:s0], s1  }
0x1e0: {  	s1 =	ssub.s32 @!p0 $0x0, s1;
	[sflag:s0] =	ssyncset.done @!p0 $0x0  }
0x1e1: {  	[sflag:s0] =	ssyncadd.s32 @!p0 s1  }
0x1e2: {  	[bflag:$0x3] =	sbarrier.arrive $0xFFFF  }
0x1e3: {  	_ =	shalt  }

// kernel: kernel.7.cloned.1.call-start
scs
__scs_entry_jumppad:
0x0: {  	(pc) =	sbr.rel $0x88, $3  }
0x1: {  	(tag) =	ssettag $0x0;
	lr =	simm.s32 $0x1  }
0x2: {  	[smem:$0x3F9A] =	sst lr;
	_ =	strace $0xD0000000  }
0x3: {  	_ = 	snop  }
0x4: {  	_ = 	snop  }
0x5: {  	_ = 	snop  }
0x6: {  	_ = 	snop  }
0x7: {  	_ = 	snop  }
__scs_overlays_trampoline_lowered:
0x8: {  	[smem:$0x3FA9] =	sst s0  }
0x9: {  	[smem:$0x3FAA] =	sst s1  }
0xa: {  	[smem:$0x3FAB] =	sst s2  }
0xb: {  	[smem:$0x3FAC] =	sst s3  }
0xc: {  	[smem:$0x3FAD] =	sst s4  }
0xd: {  	[smem:$0x3FAE] =	sst s5  }
0xe: {  	[smem:$0x3FAF] =	sst s6  }
0xf: {  	[smem:$0x3FB0] =	sst s7  }
0x10: {  	[smem:$0x3FB1] =	sst s8  }
0x11: {  	[smem:$0x3FB2] =	sst s9;
	s0 =	simm.s32 @!p0 $0x0  }
0x12: {  	s1 =	sld [smem:$0x3F98];
	s0 =	simm.s32 @p0 $0x1  }
0x13: {  	[smem:$0x3FB3] =	sst s0;
	s0 =	simm.s32 @!p1 $0x0  }
0x14: {  	s2 =	sld [smem:$0x3F97];
	s0 =	simm.s32 @p1 $0x1  }
0x15: {  	[smem:$0x3FB4] =	sst s0;
	s0 =	simm.s32 @!p2 $0x0  }
0x16: {  	s3 =	sld [smem:$0x3FDB];
	s0 =	simm.s32 @p2 $0x1  }
0x17: {  	s4 =	simm.s32 $0x1BF5;
	[smem:$0x3FB6] =	sst s0  }
0x18: {  	s0 =	sld [smem:$0x3F99];
	_ =	swait.ge [sflag:s4], $0x0  }
0x19: {  	s7 =	sld [smem:$0x3F9A]  }
0x1a: {  	s8 =	sadd.s32 $0xFFFFE003, lr  }
0x1b: {  	s9 =	sadd.s32 $0xFFFFFEF7, lr;
	s5 =	simm.s32 $0xFFFFFFFF;
	p2 =	slt.u32 s8, $0xFFFFF086  }
0x1c: {  	p1 =	slt.u32 s9, $0xF7A;
	s5 =	simm.s32 @!p2 $0x0  }
0x1d: {  	s5 =	simm.s32 @p1 $0x1;
	p0 =	seq.s32 s7, s2  }
0x1e: {  	s7 =	smul.u32 @!p0 $0xF7A, s2;
	p2 =	seq.s32 @!p0 s5, $0x0  }
0x1f: {  	s9 =	smul.u32 $0xF7A, s1;
	s8 =	simm.s32 @!p0 $0x1BF5;
	p2 =	por !p2, p0  }
0x20: {  	[sflag:s8] =	ssyncset.s32 @!p0 $0xFFFFF086;
	s6 =	sadd.s32 @!p0 s3, s7;
	s7 =	simm.s32 @!p0 $0x108  }
0x21: {  	s3 =	sadd.s32 s3, s9;
	s6 =	sadd.s32 @!p0 $0x88, s6;
	s7 =	simm.s32 @p2 $0x1082  }
0x22: {  	[simem:s7], [sflag:s8] =	dma.local @!p0 [hbm:s6], $0xF7A  }
0x23: {  	s9 =	sor.u32 $0xD0000000, s2;
	s6 =	simm.s32 $0x108;
	_ =	swait.ge @!p0 [sflag:s8], $0x0  }
0x24: {  	s3 =	sadd.s32 $0x88, s3;
	s6 =	simm.s32 @!p1 $0x1082;
	[sflag:s4] =	ssyncset.s32 $0xFFFFF086  }
0x25: {  	[simem:s6], [sflag:s4] =	dma.local [hbm:s3], $0xF7A  }
0x26: {  	[smem:$0x3F9A] =	sst s1;
	(tag) =	ssettag s2;
	_ =	strace s9  }
0x27: {  	s1 =	sld [smem:$0x3FAA]  }
0x28: {  	s2 =	sld [smem:$0x3FAB]  }
0x29: {  	s4 =	sld [smem:$0x3FAD]  }
0x2a: {  	p0 =	seq.s32 s5, $0x0;
	s5 =	sld [smem:$0x3FAE]  }
0x2b: {  	s6 =	sld [smem:$0x3FAF]  }
0x2c: {  	s7 =	sld [smem:$0x3FB0]  }
0x2d: {  	s3 =	simm.s32 $0x108;
	s8 =	sld [smem:$0x3FB1]  }
0x2e: {  	s3 =	simm.s32 @!p0 $0x1082;
	s9 =	sld [smem:$0x3FB2]  }
0x2f: {  	lr =	sadd.s32 s0, s3;
	s0 =	sld [smem:$0x3FA9]  }
0x30: {  	s3 =	sld [smem:$0x3FAC]  }
0x31: {  	[smem:$0x3FB5] =	sst s10  }
0x32: {  	s10 =	sld [smem:$0x3FB3];
	_ =	sdelay $0x3  }
0x33: {  	p0 =	seq.s32 s10, $0x1;
	s10 =	sld [smem:$0x3FB5];
	_ =	sdelay $0x3  }
0x34: {  	[smem:$0x3FB5] =	sst s10  }
0x35: {  	s10 =	sld [smem:$0x3FB4];
	_ =	sdelay $0x3  }
0x36: {  	p1 =	seq.s32 s10, $0x1;
	s10 =	sld [smem:$0x3FB5];
	_ =	sdelay $0x3  }
0x37: {  	[smem:$0x3FB5] =	sst s10  }
0x38: {  	s10 =	sld [smem:$0x3FB6]  }
0x39: {  	_ = 	snop;
	(pc) =	sbr.ind lr, $3  }
0x3a: {  	_ = 	snop  }
0x3b: {  	_ = 	snop  }
0x3c: {  	p2 =	seq.s32 s10, $0x1;
	s10 =	sld [smem:$0x3FB5]  }
0x3d: {  	_ =	shalt  }
0x3e: {  	_ =	shalt  }
0x3f: {  	_ =	shalt  }
0x40: {  	_ =	shalt  }
0x41: {  	_ =	shalt  }
0x42: {  	_ =	shalt  }
0x43: {  	_ =	shalt  }
0x44: {  	_ =	shalt  }
0x45: {  	_ =	shalt  }
0x46: {  	_ =	shalt  }
0x47: {  	_ =	shalt  }
0x48: {  	_ =	shalt  }
0x49: {  	_ =	shalt  }
0x4a: {  	_ =	shalt  }
0x4b: {  	_ =	shalt  }
0x4c: {  	_ =	shalt  }
0x4d: {  	_ =	shalt  }
0x4e: {  	_ =	shalt  }
0x4f: {  	_ =	shalt  }
0x50: {  	_ =	shalt  }
0x51: {  	_ =	shalt  }
0x52: {  	_ =	shalt  }
0x53: {  	_ =	shalt  }
0x54: {  	_ =	shalt  }
0x55: {  	_ =	shalt  }
0x56: {  	_ =	shalt  }
0x57: {  	_ =	shalt  }
0x58: {  	_ =	shalt  }
0x59: {  	_ =	shalt  }
0x5a: {  	_ =	shalt  }
0x5b: {  	_ =	shalt  }
0x5c: {  	_ =	shalt  }
0x5d: {  	_ =	shalt  }
0x5e: {  	_ =	shalt  }
0x5f: {  	_ =	shalt  }
0x60: {  	_ =	shalt  }
0x61: {  	_ =	shalt  }
0x62: {  	_ =	shalt  }
0x63: {  	_ =	shalt  }
0x64: {  	_ =	shalt  }
0x65: {  	_ =	shalt  }
0x66: {  	_ =	shalt  }
0x67: {  	_ =	shalt  }
0x68: {  	_ =	shalt  }
0x69: {  	_ =	shalt  }
0x6a: {  	_ =	shalt  }
0x6b: {  	_ =	shalt  }
0x6c: {  	_ =	shalt  }
0x6d: {  	_ =	shalt  }
0x6e: {  	_ =	shalt  }
0x6f: {  	_ =	shalt  }
0x70: {  	_ =	shalt  }
0x71: {  	_ =	shalt  }
0x72: {  	_ =	shalt  }
0x73: {  	_ =	shalt  }
0x74: {  	_ =	shalt  }
0x75: {  	_ =	shalt  }
0x76: {  	_ =	shalt  }
0x77: {  	_ =	shalt  }
0x78: {  	_ =	shalt  }
0x79: {  	_ =	shalt  }
0x7a: {  	_ =	shalt  }
0x7b: {  	_ =	shalt  }
0x7c: {  	_ =	shalt  }
0x7d: {  	_ =	shalt  }
0x7e: {  	_ =	shalt  }
0x7f: {  	_ =	shalt  }
0x80: {  	_ =	shalt  }
0x81: {  	_ =	shalt  }
0x82: {  	_ =	shalt  }
0x83: {  	_ =	shalt  }
0x84: {  	_ =	shalt  }
0x85: {  	_ =	shalt  }
0x86: {  	_ =	shalt  }
0x87: {  	_ =	shalt  }
.Lfunc_end0:
.L_simem_size_0:
called_computation_lowered:
.L_overlay_start_0:
0x88: {  	s2 =	sld [smem:$0x3FD9]  }
0x89: {  	s3 =	sld [smem:$0x3FFE];
	_ =	sdelay $0x1  }
0x8a: {  	s1 =	srdreg.scid  }
0x8b: {  	s0 =	sand.u32 $0x1, s1  }
0x8c: {  	s17 =	sshll.u32 s0, $0xA;
	s2 =	sadd.s32 s3, s2  }
0x8d: {  	s2 =	sadd.s32 s2, s17  }
0x8e: {  	[smem:$0x3FC1] =	sst s2  }
0x8f: {  	_ = 	snop  }
0x90: {  	s2 =	sld [smem:$0x3FD0];
	(tm) =	ssettm $0x1  }
0x91: {  	s18 =	sld [smem:$0x3FFB];
	_ =	sdelay $0x3  }
0x92: {  	_ =	strace s18  }
0x93: {  	s3 =	sld [smem:$0x3FFC];
	_ =	sdelay $0x3  }
0x94: {  	_ =	strace s3  }
0x95: {  	s3 =	sld [smem:$0x3FFD];
	_ =	sdelay $0x3  }
0x96: {  	_ =	strace s3  }
0x97: {  	_ =	strace $0x8FFFFFFF  }
0x98: {  	s19 =	sld [smem:$0x3FDB];
	_ =	sdelay $0x1  }
0x99: {  	s4 =	simm.s32 $_scs_section_size  }
0x9a: {  	s5 =	simm.s32 $_size__tile_overlayer_lowered;
	s6 =	simm.s32 $_tile_overlayer_lowered  }
0x9b: {  	s22 =	simm.s32 $0x1BFF;
	s21 =	sshll.u32 s6, $0x1;
	s3 =	sadd.s32 s4, s19  }
0x9c: {  	s7 =	simm.s32 $0x0;
	s20 =	sshll.u32 s5, $0x1;
	s5 =	sadd.s32 s21, s3  }
0x9d: {  	[timem:s7], [sflag:s22] =	dma.local [hbm:s5], s20  }
0x9e: {  	_ =	swait.ge [sflag:s22], s20  }
0x9f: {  	s4 =	ssub.s32 $0x0, s20;
	[sflag:s22] =	ssyncset.done $0x0  }
0xa0: {  	[sflag:s22] =	ssyncadd.s32 s4;
	_ =	sdelay $0x1  }
0xa1: {  	s23 =	simm.s32 $0x1B8B  }
0xa2: {  	_ =	swait.ge [sflag:s23], $0x1  }
0xa3: {  	[sflag:s23] =	ssyncset.done $0x0  }
0xa4: {  	s25 =	simm.s32 $0x1B8E;
	s24 =	sld [smem:$0x3FFE];
	[sflag:s23] =	ssyncadd.s32 $0xFFFFFFFF  }
0xa5: {  	s26 =	simm.s32 $execute0_lowered;
	[smem:$0x3FD2] =	sst s25  }
0xa6: {  	s5 =	sshll.u32 s26, $0x1;
	_ =	strace $0x80000046;
	[dreg:$0x1] =	wrdreg $0xFFFFFFFF  }
0xa7: {  	s28 =	simm.s32 $_size_execute0_lowered;
	s3 =	sadd.s32 s3, s5;
	[dreg:$0x0] =	wrdreg $0x0  }
0xa8: {  	s5 =	sshll.u32 s28, $0x1;
	[dreg:$0x2] =	wrdreg s3  }
0xa9: {  	[dreg:$0x3] =	wrdreg s5  }
0xaa: {  	[dreg:$0x4] =	wrdreg $0xC0  }
0xab: {  	_ =	task [dreg:s7], $0x5FFFF  }
0xac: {  	[dreg:$0x1] =	wrdreg $0xFFFFFFFF  }
0xad: {  	[dreg:$0x0] =	wrdreg $0x60  }
0xae: {  	[dreg:$0x2] =	wrdreg s24  }
0xaf: {  	[dreg:$0x3] =	wrdreg s2  }
0xb0: {  	[dreg:$0x4] =	wrdreg $0x90000  }
0xb1: {  	[dreg:$0x5] =	wrdreg $0x9  }
0xb2: {  	_ =	task.clear_ibuf [dreg:s7], $0x6FFFF;
	_ =	strace $0x90000046  }
0xb3: {  	s29 =	simm.s32 $0x9;
	_ =	strace $0x80000048  }
0xb4: {  	_ =	swait.ge [sflag:s29], $0x1  }
0xb5: {  	[sflag:s29] =	ssyncadd.s32 $0xFFFFFFFF  }
0xb6: {  	_ =	strace $0x90000048  }
0xb7: {  	_ =	sfence  }
0xb8: {  	s30 =	sld [smem:$0x0];
	_ =	sdelay $0x2  }
0xb9: {  	s31 =	sshll.u32 s1, $0xD;
	s1 =	sshrl.u32 s1, $0x2  }
0xba: {  	s3 =	sand.u32 $0x4000, s31;
	s1 =	sadd.s32 s1, s30  }
0xbb: {  	s0 =	sor.u32 s3, s0;
	s1 =	sshll.u32 s1, $0x11  }
0xbc: {  	s0 =	sor.u32 s1, s0  }
0xbd: {  	s0 =	sadd.s32 $0x8F2B, s0  }
0xbe: {  	[sflag:s0] =	ssyncadd.remote.s32 $0x1  }
0xbf: {  	_ =	sfence.sel $0xFFFF  }
0xc0: {  	[dreg:$0x0] =	wrdreg $0xFFFFFFFF;
	(pc) =	sbr.abs _section_cstart, $3  }
0xc1: {  	[dreg:$0x1] =	wrdreg $0xFFFFFFFF  }
0xc2: {  	_ =	task.clear_ibuf [dreg:s7], $0x2FFFF;
	_ =	strace $0x9FFFFFFF  }
0xc3: {  	(tm) =	ssettm $0x7FFFFFFF  }
tec
execute0_lowered:
.L_overlay_start_1:
0x0: {  	(tag) =	ssettag $0x1  }
0x1: {  	s7 =	rddreg [dreg:$0x0]  }
0x2: {  	s1 =	rddreg [dreg:$0x1]  }
0x3: {  	s2 =	rddreg [dreg:$0x2];
	s4 =	simm.s32 $0x0;
	s3 =	stileid.u32  }
0x4: {  	s5 =	srdreg.scid;
	s17 =	simm.s32 $0x7D;
	s18 =	simm.s32 $0x1000  }
0x5: {  	s19 =	simm.s32 $0x5000;
	s20 =	simm.s32 $0x1;
	s28 =	simm.s32 $0x0  }
0x6: {  	[smem:$0x7FF] =	sst s4;
	s8 =	smul.u32 $0x2780, s3;
	s9 =	sand.u32 $0x1, s5  }
0x7: {  	s21 =	sshll.u32 s3, $0x1;
	s6 =	sshrl.u32 s3, $0x2;
	s23 =	smul.u32 $0x4F000, s3  }
0x8: {  	s5 =	sadd.s32 $0x2400, s7;
	s31 =	sshll.u32 s3, $0x6;
	s10 =	smul.u32 $0x27800, s9  }
0x9: {  	_ =	strace $0x80000047;
	s11 =	sor.u32 s9, s21;
	s12 =	smul.u32 $0x13C00, s6  }
0xa: {  	s6 =	sadd.s32 $0x51400, s7;
	s9 =	ssub.s32 $0x2, s9;
	s21 =	simm.s32 $0x2  }
0xb: {  	s13 =	sshll.u32 s11, $0x7;
	s14 =	sadd.s32 s8, s7;
	s26 =	sshrl.u32 s9, $0x1  }
0xc: {  	s29 =	sshrl.u32 s23, $0x2;
	s23 =	simm.s32 $0xF00;
	s13 =	sand.u32 $0x380, s13  }
0xd: {  	s8 =	sadd.s32 s8, s10;
	s30 =	ssub.s32 s9, s26;
	s16 =	sadd.s32 s29, s2  }
0xe: {  	s9 =	smul.u32 $0x2800, s11;
	s26 =	simm.s32 $0x400;
	s22 =	sor.u32 s12, s13  }
0xf: {  	s24 =	sadd.s32 s8, s7;
	s8 =	sor.u32 $0x1C03, s31;
	s12 =	smax.u32 s30, $0x1  }
0x10: {  	s13 =	sshrl.u32 s16, $0x3;
	s16 =	simm.s32 $0x800;
	s25 =	sshrl.u32 s22, $0x3  }
0x11: {  	s10 =	sadd.s32 $0x5B800, s24;
	s22 =	simm.s32 $0x780;
	s24 =	simm.s32 $0xF80  }
0x12: {  	s15 =	sadd.s32 s25, s7;
	s7 =	sadd.s32 $0x29C00, s14;
	s14 =	simm.s32 $0x3  }
0x13: {  	v0 =	vimm.f32 $1.000000000e+00;
	vm0 =	vcmask $0x3F0C;
	s25 =	simm.s32 $0x80;
	s11 =	sadd.s32 $0x51A00, s15;
	s15 =	simm.s32 $0x1CC00  }
.LBB2_1:
0x14: {  	[spmem:s13], [sflag:s8] =	dma.local [hbm:s7], $0x2780  }
0x15: {  	_ =	swait.ge [sflag:s14], $0x2780  }
0x16: {  	[sflag:s14] =	ssyncset.done $0x0  }
0x17: {  	[sflag:s14] =	ssyncadd.s32 $0xFFFFD880  }
0x18: {  	[tilespmem:s15], [sflag:$0x3] =	stream.linear.gather [hbm4b:s6+s4], $0x2780, $0x38;
	[tilespmem:$0x1F380] =	vst v63  }
0x19: {  	_ =	swait.ge [sflag:s14], $0x2780  }
0x1a: {  	[sflag:s14] =	ssyncset.done $0x0  }
0x1b: {  	[sflag:s14] =	ssyncadd.s32 $0xFFFFD880  }
0x1c: {  	s29 =	simm.s32 $0x0;
	[bflag:$0x0] =	sbarrier.arrive $0xFFFF  }
.LBB2_2:
0x1d: {  	s30 =	sshll.u32 s29, $0xB  }
0x1e: {  	s30 =	sadd.s32 s9, s30  }
0x1f: {  	s30 =	sshrl.u32 s30, $0x3  }
0x20: {  	s31 =	sadd.s32 s1, s30;
	s30 =	simm.s32 $0x0  }
0x21: {  	[tilespmem:s30], [sflag:$0x3] =	stream.linear.gather [hbm4b:s31+s30], $0x800, $0x38;
	[tilespmem:$0x1F380] =	vst v63  }
0x22: {  	_ =	swait.ge [sflag:s14], $0x800  }
0x23: {  	[sflag:s14] =	ssyncset.done $0x0  }
0x24: {  	s31 =	sadd.s32 $0xA000, s31;
	[sflag:s14] =	ssyncadd.s32 $0xFFFFF800  }
0x25: {  	[tilespmem:s16], [sflag:$0x3] =	stream.linear.gather [hbm4b:s31+s30], $0x800, $0x38;
	[tilespmem:$0x1F380] =	vst v63  }
0x26: {  	_ =	swait.ge [sflag:s14], $0x800  }
0x27: {  	[sflag:s14] =	ssyncset.done $0x0  }
0x28: {  	[sflag:s14] =	ssyncadd.s32 $0xFFFFF800  }
0x29: {  	[tilespmem:s18], [sflag:$0x1] =	stream.indirect.gather [hbm4b:s5+s17], $0x80, s30, s17, $0xb8;
	[tilespmem:$0x1F380] =	vst v63  }
.LBB2_3:
0x2a: {  	s31 =	sshra.s32 s30, $0x2  }
0x2b: {  	s0 =	sadd.s32 $0x80, s31  }
0x2c: {  	[tilespmem:s19], [sflag:$0x2] =	stream.indirect.gather [hbm4b:s5+s17], $0x80, s0, s17, $0xb8;
	[tilespmem:$0x1F380] =	vst v63  }
0x2d: {  	_ =	swait.ge [sflag:s20], $0x3E80  }
0x2e: {  	[sflag:s20] =	ssyncset.done $0x0  }
0x2f: {  	s0 =	sadd.s32 $0x800, s31;
	[sflag:s20] =	ssyncadd.s32 $0xFFFFC180  }
0x30: {  	[spmem:s2] =	stream.indirect.scatter.add.f32 [tilespmem:s18], [sflag:$0x3], $0x80, s0, s17, $0xb8;
	[tilespmem:$0x1F380] =	vst v63  }
0x31: {  	_ =	swait.ge [sflag:s14], $0x3E80  }
0x32: {  	[sflag:s14] =	ssyncset.done $0x0  }
0x33: {  	[sflag:s14] =	ssyncadd.s32 $0xFFFFC180  }
0x34: {  	v1 =	vld [tilespmem:s31+$0x800];
	_ =	sdelay $0x7  }
0x35: {  	[tilespmem:v1+s15+$0x0] =	vst.idx.add.f32.msk $0xffff, v0  }
0x36: {  	v1 =	vld [tilespmem:s31+$0x810];
	_ =	sdelay $0x7  }
0x37: {  	[tilespmem:v1+s15+$0x0] =	vst.idx.add.f32.msk $0xffff, v0  }
0x38: {  	v1 =	vld [tilespmem:s31+$0x820];
	_ =	sdelay $0x7  }
0x39: {  	[tilespmem:v1+s15+$0x0] =	vst.idx.add.f32.msk $0xffff, v0  }
0x3a: {  	v1 =	vld [tilespmem:s31+$0x830];
	_ =	sdelay $0x7  }
0x3b: {  	[tilespmem:v1+s15+$0x0] =	vst.idx.add.f32.msk $0xffff, v0  }
0x3c: {  	v1 =	vld [tilespmem:s31+$0x840];
	_ =	sdelay $0x7  }
0x3d: {  	[tilespmem:v1+s15+$0x0] =	vst.idx.add.f32.msk $0xffff, v0  }
0x3e: {  	v1 =	vld [tilespmem:s31+$0x850];
	_ =	sdelay $0x7  }
0x3f: {  	[tilespmem:v1+s15+$0x0] =	vst.idx.add.f32.msk $0xffff, v0  }
0x40: {  	v1 =	vld [tilespmem:s31+$0x860];
	_ =	sdelay $0x7  }
0x41: {  	[tilespmem:v1+s15+$0x0] =	vst.idx.add.f32.msk $0xffff, v0  }
0x42: {  	v1 =	vld [tilespmem:s31+$0x86D];
	_ =	sdelay $0x7  }
0x43: {  	s0 =	sadd.s32 $0x100, s31;
	[tilespmem:v1+s15+$0x0] =	vst.idx.add.f32.msk vm0, v0  }
0x44: {  	[tilespmem:s18], [sflag:$0x1] =	stream.indirect.gather [hbm4b:s5+s17], $0x80, s0, s17, $0xb8;
	[tilespmem:$0x1F380] =	vst v63  }
0x45: {  	_ =	swait.ge [sflag:s21], $0x3E80  }
0x46: {  	[sflag:s21] =	ssyncset.done $0x0  }
0x47: {  	s0 =	sadd.s32 $0x880, s31;
	[sflag:s21] =	ssyncadd.s32 $0xFFFFC180  }
0x48: {  	[spmem:s2] =	stream.indirect.scatter.add.f32 [tilespmem:s19], [sflag:$0x3], $0x80, s0, s17, $0xb8;
	[tilespmem:$0x1F380] =	vst v63  }
0x49: {  	_ =	swait.ge [sflag:s14], $0x3E80  }
0x4a: {  	[sflag:s14] =	ssyncset.done $0x0  }
0x4b: {  	[sflag:s14] =	ssyncadd.s32 $0xFFFFC180  }
0x4c: {  	v1 =	vld [tilespmem:s31+$0x880];
	_ =	sdelay $0x7  }
0x4d: {  	[tilespmem:v1+s15+$0x0] =	vst.idx.add.f32.msk $0xffff, v0  }
0x4e: {  	v1 =	vld [tilespmem:s31+$0x890];
	_ =	sdelay $0x7  }
0x4f: {  	[tilespmem:v1+s15+$0x0] =	vst.idx.add.f32.msk $0xffff, v0  }
0x50: {  	v1 =	vld [tilespmem:s31+$0x8A0];
	_ =	sdelay $0x7  }
0x51: {  	[tilespmem:v1+s15+$0x0] =	vst.idx.add.f32.msk $0xffff, v0  }
0x52: {  	v1 =	vld [tilespmem:s31+$0x8B0];
	_ =	sdelay $0x7  }
0x53: {  	[tilespmem:v1+s15+$0x0] =	vst.idx.add.f32.msk $0xffff, v0  }
0x54: {  	v1 =	vld [tilespmem:s31+$0x8C0];
	_ =	sdelay $0x7  }
0x55: {  	[tilespmem:v1+s15+$0x0] =	vst.idx.add.f32.msk $0xffff, v0  }
0x56: {  	v1 =	vld [tilespmem:s31+$0x8D0];
	_ =	sdelay $0x7  }
0x57: {  	[tilespmem:v1+s15+$0x0] =	vst.idx.add.f32.msk $0xffff, v0  }
0x58: {  	v1 =	vld [tilespmem:s31+$0x8E0];
	_ =	sdelay $0x7  }
0x59: {  	[tilespmem:v1+s15+$0x0] =	vst.idx.add.f32.msk $0xffff, v0  }
0x5a: {  	v1 =	vld [tilespmem:s31+$0x8ED];
	_ =	sdelay $0x2  }
0x5b: {  	p0 =	sne.s32 s30, $0x1800  }
.Ltmp0:
0x5c: {  	_ = 	snop;
	(pc) =	sbr.rel @p0 .LBB2_3-.Ltmp0, $2  }
0x5d: {  	_ =	sdelay $0x2  }
0x5e: {  	s30 =	sadd.s32 $0x400, s30;
	[tilespmem:v1+s15+$0x0] =	vst.idx.add.f32.msk vm0, v0  }
0x5f: {  	[tilespmem:s19], [sflag:$0x2] =	stream.indirect.gather [hbm4b:s5+s17], $0x80, s22, s17, $0xb8;
	[tilespmem:$0x1F380] =	vst v63  }
0x60: {  	_ =	swait.ge [sflag:s20], $0x3E80  }
0x61: {  	[sflag:s20] =	ssyncset.done $0x0  }
0x62: {  	[sflag:s20] =	ssyncadd.s32 $0xFFFFC180  }
0x63: {  	[spmem:s2] =	stream.indirect.scatter.add.f32 [tilespmem:s18], [sflag:$0x3], $0x80, s23, s17, $0xb8;
	[tilespmem:$0x1F380] =	vst v63  }
0x64: {  	_ =	swait.ge [sflag:s14], $0x3E80  }
0x65: {  	[sflag:s14] =	ssyncset.done $0x0  }
0x66: {  	[sflag:s14] =	ssyncadd.s32 $0xFFFFC180  }
0x67: {  	v1 =	vld [tilespmem:$0xF00];
	_ =	sdelay $0x7  }
0x68: {  	[tilespmem:v1+s15+$0x0] =	vst.idx.add.f32.msk $0xffff, v0  }
0x69: {  	v1 =	vld [tilespmem:$0xF10];
	_ =	sdelay $0x7  }
0x6a: {  	[tilespmem:v1+s15+$0x0] =	vst.idx.add.f32.msk $0xffff, v0  }
0x6b: {  	v1 =	vld [tilespmem:$0xF20];
	_ =	sdelay $0x7  }
0x6c: {  	[tilespmem:v1+s15+$0x0] =	vst.idx.add.f32.msk $0xffff, v0  }
0x6d: {  	v1 =	vld [tilespmem:$0xF30];
	_ =	sdelay $0x7  }
0x6e: {  	[tilespmem:v1+s15+$0x0] =	vst.idx.add.f32.msk $0xffff, v0  }
0x6f: {  	v1 =	vld [tilespmem:$0xF40];
	_ =	sdelay $0x7  }
0x70: {  	[tilespmem:v1+s15+$0x0] =	vst.idx.add.f32.msk $0xffff, v0  }
0x71: {  	v1 =	vld [tilespmem:$0xF50];
	_ =	sdelay $0x7  }
0x72: {  	[tilespmem:v1+s15+$0x0] =	vst.idx.add.f32.msk $0xffff, v0  }
0x73: {  	v1 =	vld [tilespmem:$0xF60];
	_ =	sdelay $0x7  }
0x74: {  	[tilespmem:v1+s15+$0x0] =	vst.idx.add.f32.msk $0xffff, v0  }
0x75: {  	v1 =	vld [tilespmem:$0xF6D];
	_ =	sdelay $0x7  }
0x76: {  	[tilespmem:v1+s15+$0x0] =	vst.idx.add.f32.msk vm0, v0  }
0x77: {  	_ =	swait.ge [sflag:s21], $0x3E80  }
0x78: {  	[sflag:s21] =	ssyncset.done $0x0  }
0x79: {  	[sflag:s21] =	ssyncadd.s32 $0xFFFFC180  }
0x7a: {  	[spmem:s2] =	stream.indirect.scatter.add.f32 [tilespmem:s19], [sflag:$0x3], $0x80, s24, s17, $0xb8;
	[tilespmem:$0x1F380] =	vst v63  }
0x7b: {  	_ =	swait.ge [sflag:s14], $0x3E80  }
0x7c: {  	[sflag:s14] =	ssyncset.done $0x0  }
0x7d: {  	[sflag:s14] =	ssyncadd.s32 $0xFFFFC180  }
0x7e: {  	v1 =	vld [tilespmem:$0xF80];
	_ =	sdelay $0x7  }
0x7f: {  	[tilespmem:v1+s15+$0x0] =	vst.idx.add.f32.msk $0xffff, v0  }
0x80: {  	v1 =	vld [tilespmem:$0xF90];
	_ =	sdelay $0x7  }
0x81: {  	[tilespmem:v1+s15+$0x0] =	vst.idx.add.f32.msk $0xffff, v0  }
0x82: {  	v1 =	vld [tilespmem:$0xFA0];
	_ =	sdelay $0x7  }
0x83: {  	[tilespmem:v1+s15+$0x0] =	vst.idx.add.f32.msk $0xffff, v0  }
0x84: {  	v1 =	vld [tilespmem:$0xFB0];
	_ =	sdelay $0x7  }
0x85: {  	[tilespmem:v1+s15+$0x0] =	vst.idx.add.f32.msk $0xffff, v0  }
0x86: {  	v1 =	vld [tilespmem:$0xFC0];
	_ =	sdelay $0x7  }
0x87: {  	[tilespmem:v1+s15+$0x0] =	vst.idx.add.f32.msk $0xffff, v0  }
0x88: {  	v1 =	vld [tilespmem:$0xFD0];
	_ =	sdelay $0x7  }
0x89: {  	[tilespmem:v1+s15+$0x0] =	vst.idx.add.f32.msk $0xffff, v0  }
0x8a: {  	v1 =	vld [tilespmem:$0xFE0];
	_ =	sdelay $0x7  }
0x8b: {  	[tilespmem:v1+s15+$0x0] =	vst.idx.add.f32.msk $0xffff, v0  }
0x8c: {  	v1 =	vld [tilespmem:$0xFED];
	_ =	sdelay $0x1  }
0x8d: {  	s29 =	sadd.s32 $0x1, s29  }
0x8e: {  	p0 =	sne.s32 s29, $0x5  }
.Ltmp1:
0x8f: {  	_ = 	snop;
	(pc) =	sbr.rel @p0 .LBB2_2-.Ltmp1, $2  }
0x90: {  	_ =	sdelay $0x2  }
0x91: {  	[tilespmem:v1+s15+$0x0] =	vst.idx.add.f32.msk vm0, v0  }
0x92: {  	[bflag:$0x0] =	sbarrier.arrive $0xFFFF  }
0x93: {  	[hbm:s10], [sflag:s8] =	dma.local [spmem:s13], $0x2780  }
0x94: {  	s28 =	sadd.s32 $0x1, s28;
	_ =	swait.ge [sflag:s14], $0x2780  }
0x95: {  	p0 =	sne.s32 s28, s12;
	[sflag:s14] =	ssyncset.done $0x0  }
.Ltmp2:
0x96: {  	[sflag:s14] =	ssyncadd.s32 $0xFFFFD880;
	(pc) =	sbr.rel @p0 .LBB2_1-.Ltmp2, $4  }
0x97: {  	[hbm4b:s11+s25] =	stream.strided.scatter [tilespmem:s15], [sflag:$0x3], $0x2780, s26, s25, $0x38;
	[tilespmem:$0x1F380] =	vst v63  }
0x98: {  	_ =	swait.ge [sflag:s14], $0x2780  }
0x99: {  	[sflag:s14] =	ssyncset.done $0x0  }
0x9a: {  	[sflag:s14] =	ssyncadd.s32 $0xFFFFD880  }
0x9b: {  	_ =	sfence.sel $0x180000  }
0x9c: {  	[bflag:$0x0] =	sbarrier.arrive $0xFFFF  }
0x9d: {  	_ =	strace $0x90000047  }
0x9e: {  	[bflag:$0x2] =	sbarrier.arrive $0xFFFF  }
0x9f: {  	p0 =	sne.s32 s3, $0x0;
	s0 =	rddreg [dreg:$0x3]  }
0xa0: {  	s0 =	sadd.s32 @!p0 $0x100000, s0  }
0xa1: {  	[sflag:s0] =	ssyncadd.tile.s32 @!p0 $0x1;
	_ =	shalt  }
.Lfunc_end2:
_tile_overlayer_lowered:
.L_overlay_start_2:
0xa2: {  	(tag) =	ssettag $0x2  }
0xa3: {  	s0 =	rddreg [dreg:$0x0];
	s2 =	stileid.u32  }
0xa4: {  	s1 =	rddreg [dreg:$0x1];
	p0 =	sne.s32 s2, $0x0  }
0xa5: {  	s3 =	rddreg [dreg:$0x2];
	[bflag:$0x3] =	sbarrier.arrive $0xFFFF;
	s2 =	simm.s32 @!p0 $0x1C03  }
0xa6: {  	[timem:s3], [sflag:s2] =	dma.local @!p0 [hbm:s0], s1  }
0xa7: {  	s0 =	simm.s32 @!p0 $0x3  }
0xa8: {  	_ =	swait.ge @!p0 [sflag:s0], s1  }
0xa9: {  	s1 =	ssub.s32 @!p0 $0x0, s1;
	[sflag:s0] =	ssyncset.done @!p0 $0x0  }
0xaa: {  	[sflag:s0] =	ssyncadd.s32 @!p0 s1  }
0xab: {  	[bflag:$0x3] =	sbarrier.arrive $0xFFFF  }
0xac: {  	_ =	shalt  }

</sc_bundles>
